<compile_context>
chip_gen: v7x
topology: tpu7x:2x2x1
jax: 0.10.2.dev20260603
libtpu: 0.0.44.dev20260713+nightly
codegen_flags: <defaults>
</compile_context>

<pallas_src>
import functools

import jax
import jax.numpy as jnp
from jax import lax
from jax.experimental import pallas as pl
from jax.experimental.pallas import tpu as pltpu
from jax.experimental.pallas import tpu_sc as plsc

NBINS = 4096
EMAX = 8.0
SCALE = NBINS / EMAX
NLANE = 16
TBL = NLANE * NBINS
NWORK = 32
NCLS = 3
PIX = 512 * 512
NBATCH = 16
CHUNK = NBATCH * PIX // NWORK
BLK = 16384
NBLK = CHUNK // BLK
PACK_SHIFT = 14


def _sc_hist_body(pred_hbm, target_hbm, out_hbm, table, pbuf, tbuf):
    wid = lax.axis_index("s") * 2 + lax.axis_index("c")
    run = wid // 2
    half = wid % 2
    lane = lax.iota(jnp.int32, NLANE)
    lanebase = lane * NBINS + (NBINS - 1)
    zero16 = jnp.zeros((NLANE,), jnp.int32)

    for c in range(NCLS):
        def zero_body(j, _):
            table[pl.ds(j * NLANE, NLANE)] = zero16
            return 0

        lax.fori_loop(0, TBL // NLANE, zero_body, 0)

        base = (run * NCLS + c) * PIX + half * CHUNK

        def blk_body(b, _):
            off = base + b * BLK
            pltpu.sync_copy(pred_hbm.at[pl.ds(off, BLK)], pbuf)
            pltpu.sync_copy(target_hbm.at[pl.ds(off, BLK)], tbuf)

            def vec_body(i, _):
                p = pbuf[pl.ds(i * NLANE, NLANE)]
                t = tbuf[pl.ds(i * NLANE, NLANE)]
                e = 1.0 - p * (2.0 * t - 1.0)
                bi = jnp.clip((e * SCALE).astype(jnp.int32), 0, NBINS - 1)
                idx = lanebase - bi
                pv = t.astype(jnp.int32) * (1 << PACK_SHIFT) + 1
                plsc.addupdate_scatter(table, [idx], pv)
                return 0

            lax.fori_loop(0, BLK // NLANE, vec_body, 0)
            return 0

        lax.fori_loop(0, NBLK, blk_body, 0)
        pltpu.sync_copy(table, out_hbm.at[pl.ds((c * NWORK + wid) * TBL, TBL)])


def _sc_hist(pred_flat, target_flat):
    mesh = plsc.VectorSubcoreMesh(core_axis_name="c", subcore_axis_name="s")
    return pl.kernel(
        _sc_hist_body,
        out_type=jax.ShapeDtypeStruct((NCLS * NWORK * TBL,), jnp.int32),
        mesh=mesh,
        compiler_params=pltpu.CompilerParams(needs_layout_passes=False),
        scratch_types=[
            pltpu.VMEM((TBL,), jnp.int32),
            pltpu.VMEM((BLK,), jnp.float32),
            pltpu.VMEM((BLK,), jnp.float32),
        ],
    )(pred_flat, target_flat)


def _shift_lanes(x, s):
    pad = jnp.zeros((x.shape[0], s), x.dtype)
    return jnp.concatenate([pad, x[:, : x.shape[1] - s]], axis=1)


def _shift_rows(x, s):
    pad = jnp.zeros((s, x.shape[1]), x.dtype)
    return jnp.concatenate([pad, x[: x.shape[0] - s]], axis=0)


def _finalize_body(tbl_ref, w_ref, out_ref):
    total = jnp.float32(0.0)
    rows = NWORK * NLANE
    step = 8
    for c in range(NCLS):
        def red_body(k, acc):
            cnt_a, pos_a = acc
            chunk = tbl_ref[c, pl.ds(k * step, step)]
            cnt_a = cnt_a + jnp.sum(chunk & ((1 << PACK_SHIFT) - 1), axis=0)
            pos_a = pos_a + jnp.sum(chunk >> PACK_SHIFT, axis=0)
            return (cnt_a, pos_a)

        zero = jnp.zeros((32, 128), jnp.int32)
        cnt, pos = lax.fori_loop(0, rows // step, red_body, (zero, zero))

        ncum, pcum = cnt, pos
        for s in (1, 2, 4, 8, 16, 32, 64):
            ncum = ncum + _shift_lanes(ncum, s)
            pcum = pcum + _shift_lanes(pcum, s)
        nrt = ncum[:, 127:128]
        prt = pcum[:, 127:128]
        ncar, pcar = nrt, prt
        for s in (1, 2, 4, 8, 16):
            ncar = ncar + _shift_rows(ncar, s)
            pcar = pcar + _shift_rows(pcar, s)
        ncum = ncum + (ncar - nrt)
        pcum = pcum + (pcar - prt)

        g = jnp.sum(pos)
        nf = ncum.astype(jnp.float32)
        pf = pcum.astype(jnp.float32)
        gf = g.astype(jnp.float32)
        denom = jnp.maximum(gf + nf - pf, 1.0)
        jac = jnp.where(ncum == 0, 0.0, 1.0 - (gf - pf) / denom)

        bi = (
            lax.broadcasted_iota(jnp.int32, (32, 128), 0) * 128
            + lax.broadcasted_iota(jnp.int32, (32, 128), 1)
        )
        coef = jnp.where(
            bi == NBINS - 1, 0.0, jnp.where(bi == NBINS - 2, 1.5, 1.0)
        ) / SCALE
        loss_c = jnp.sum(jac * coef)
        total = total + w_ref[c] * loss_c
    out_ref[0, 0] = total


def _tc_finalize(tbl, weights):
    return pl.pallas_call(
        _finalize_body,
        out_shape=jax.ShapeDtypeStruct((1, 1), jnp.float32),
        in_specs=[
            pl.BlockSpec(memory_space=pltpu.VMEM),
            pl.BlockSpec(memory_space=pltpu.SMEM),
        ],
        out_specs=pl.BlockSpec(memory_space=pltpu.SMEM),
    )(tbl, weights)


@jax.jit
def kernel(pred, target, class_weights):
    pred_flat = pred.reshape(-1)
    target_flat = target.reshape(-1)
    tables = _sc_hist(pred_flat, target_flat)
    tbl = tables.reshape(NCLS, NWORK * NLANE, 32, 128)
    out = _tc_finalize(tbl, class_weights)
    return out.reshape(())

# --- scband reference (transcript-rebuilt; emitter-appended) ---
"""Pipeline reference for scband-weighted-lovasz-loss-558345749148 (READ-ONLY COPY).

The authoritative reference and input builder live on the scoring server;
editing this copy changes nothing except your own understanding.
"""

import jax, jax.numpy as jnp
import numpy as np

NUM_CLASSES = 3


def setup_inputs(seed: int = 0) -> dict:
    key = jax.random.key(seed)
    k1, k2 = jax.random.split(key)
    pred = jax.random.normal(k1, (16, NUM_CLASSES, 512, 512), dtype=jnp.float32)
    target = jax.random.randint(k2, (16, NUM_CLASSES, 512, 512), 0, 2).astype(jnp.float32)
    cw = jnp.array([0.1, 0.9, 0.7], dtype=jnp.float32)
    cw = cw / cw.sum()
    return {"pred": pred, "target": target, "class_weights": cw}


def lovasz_grad(gt_sorted):
    gts = gt_sorted.sum()
    intersection = gts - jnp.cumsum(gt_sorted, axis=0)
    union = gts + jnp.cumsum(1.0 - gt_sorted, axis=0)
    jaccard = 1.0 - intersection / union
    jaccard = jnp.concatenate([jaccard[:1], jaccard[1:] - jaccard[:-1]], axis=0)
    return jaccard


def lovasz_hinge_flat(logits, labels):
    signs = 2.0 * labels - 1.0
    errors = 1.0 - logits * signs
    perm = jnp.argsort(-errors)
    errors_sorted = errors[perm]
    gt_sorted = labels[perm]
    grad = lovasz_grad(gt_sorted)
    return jnp.dot(jax.nn.relu(errors_sorted), grad)


def reference(pred, target, class_weights):
    total_loss = 0.0
    for c in range(NUM_CLASSES):
        lovasz = lovasz_hinge_flat(pred[:, c].reshape(-1), target[:, c].reshape(-1))
        total_loss = total_loss + class_weights[c] * lovasz
    return total_loss

if __name__ == "__main__":
    import jax
    _d = setup_inputs()
    print(jax.jit(kernel)(*tuple(_d.values())))

</pallas_src>

<mosaic_0001>
#map = affine_map<(d0, d1) -> (0)>
module attributes {stable_mosaic.version = 14 : i64} {
  func.func @_sc_hist_body(%arg0: i32, %arg1: i32, %arg2: memref<12582912xf32, #tpu.memory_space<hbm>>, %arg3: memref<12582912xf32, #tpu.memory_space<hbm>>, %arg4: memref<6291456xi32, #tpu.memory_space<hbm>>, %arg5: memref<65536xi32, #tpu.memory_space<vmem>>, %arg6: memref<16384xf32, #tpu.memory_space<vmem>>, %arg7: memref<16384xf32, #tpu.memory_space<vmem>>) attributes {dimension_semantics = [#tpu.dimension_semantics<core_parallel>, #tpu.dimension_semantics<subcore_parallel>], iteration_bounds = array<i64: 2, 16>, scalar_prefetch = 0 : i64, scratch_operands = 3 : i64, tpu.core_type = #tpu.core_type<sc_vector_subcore>, window_params = [{transform_indices = #map}, {transform_indices = #map}, {transform_indices = #map}]} {
    %mul3A = arith.constant 2 : i32
    %mul3A_0 = arith.muli %arg1, %mul3A : i32
    %add3A = arith.addi %mul3A_0, %arg0 : i32
    %jit3A = arith.constant 2 : i32
    %div3A = arith.divsi %add3A, %jit3A : i32
    %sign3A = arith.constant 0 : i32
    %sign3A_1 = arith.cmpi sgt, %add3A, %sign3A : i32
    %sign3A_2 = arith.extui %sign3A_1 : i1 to i32
    %sign3A_3 = arith.constant 0 : i32
    %sign3A_4 = arith.cmpi slt, %add3A, %sign3A_3 : i32
    %sign3A_5 = arith.extui %sign3A_4 : i1 to i32
    %sign3A_6 = arith.subi %sign3A_2, %sign3A_5 : i32
    %sign3A_7 = arith.constant 0 : i32
    %sign3A_8 = arith.cmpi sgt, %jit3A, %sign3A_7 : i32
    %sign3A_9 = arith.extui %sign3A_8 : i1 to i32
    %sign3A_10 = arith.constant 0 : i32
    %sign3A_11 = arith.cmpi slt, %jit3A, %sign3A_10 : i32
    %sign3A_12 = arith.extui %sign3A_11 : i1 to i32
    %sign3A_13 = arith.subi %sign3A_9, %sign3A_12 : i32
    %ne3A = arith.cmpi ne, %sign3A_6, %sign3A_13 : i32
    %rem3A = arith.remsi %add3A, %jit3A : i32
    %ne3A_14 = arith.constant 0 : i32
    %ne3A_15 = arith.cmpi ne, %rem3A, %ne3A_14 : i32
    %and3A = arith.andi %ne3A, %ne3A_15 : i1
    %sub3A = arith.constant 1 : i32
    %sub3A_16 = arith.subi %div3A, %sub3A : i32
    %select_n3A = arith.select %and3A, %sub3A_16, %div3A : i32
    %jit3A_17 = arith.constant 2 : i32
    %eq3A = arith.constant 0 : i32
    %eq3A_18 = arith.cmpi eq, %jit3A_17, %eq3A : i32
    %jit3A_19 = arith.constant 1 : i32
    %select_n3A_20 = arith.select %eq3A_18, %jit3A_19, %jit3A_17 : i32
    %rem3A_21 = arith.remsi %add3A, %select_n3A_20 : i32
    %ne3A_22 = arith.constant 0 : i32
    %ne3A_23 = arith.cmpi ne, %rem3A_21, %ne3A_22 : i32
    %lt3A = arith.constant 0 : i32
    %lt3A_24 = arith.cmpi slt, %rem3A_21, %lt3A : i32
    %lt3A_25 = arith.constant 0 : i32
    %lt3A_26 = arith.cmpi slt, %select_n3A_20, %lt3A_25 : i32
    %ne3A_27 = arith.xori %lt3A_24, %lt3A_26 : i1
    %and3A_28 = arith.andi %ne3A_27, %ne3A_23 : i1
    %add3A_29 = arith.addi %rem3A_21, %select_n3A_20 : i32
    %select_n3A_30 = arith.select %and3A_28, %add3A_29, %rem3A_21 : i32
    %iota3A = tpu.iota {dimensions = array<i32: 0>} : vector<16xi32>
    %mul3A_31 = arith.constant 4096 : i32
    %mul3A_32 = vector.broadcast %mul3A_31 : i32 to vector<16xi32>
    %mul3A_33 = arith.muli %iota3A, %mul3A_32 : vector<16xi32>
    %add3A_34 = arith.constant 4095 : i32
    %add3A_35 = vector.broadcast %add3A_34 : i32 to vector<16xi32>
    %add3A_36 = arith.addi %mul3A_33, %add3A_35 : vector<16xi32>
    %broadcast_in_dim3A = arith.constant 0 : i32
    %broadcast_in_dim3A_37 = vector.broadcast %broadcast_in_dim3A : i32 to vector<16xi32>
    %scan3A = arith.constant 0 : i32
    %scan3A_38 = arith.constant 0 : i32
    %scan3A_39 = arith.constant 4096 : i32
    %scan3A_40 = arith.addi %scan3A_38, %scan3A_39 : i32
    %scan3A_41 = arith.constant 1 : i32
    %scan3A_42 = scf.for %scan3A_118 = %scan3A_38 to %scan3A_40 step %scan3A_41 iter_args(%scan3A_119 = %scan3A) -> (i32)  : i32 {
      %mul3A_120 = arith.constant 16 : i32
      %mul3A_121 = arith.muli %scan3A_118, %mul3A_120 : i32
      %swap3A = arith.index_cast %mul3A_121 : i32 to index
      %swap3A_122 = tpu.vector_load %arg5[%swap3A] {strides = array<i32>} : memref<65536xi32, #tpu.memory_space<vmem>>, vector<16xi32>,
      tpu.vector_store %arg5[%swap3A], %broadcast_in_dim3A_37 {strides = array<i32>} : memref<65536xi32, #tpu.memory_space<vmem>>, vector<16xi32>,
      %scan3A_123 = arith.constant 0 : i32
      scf.yield %scan3A_123 : i32
    }
    %scan3A_43 = arith.constant 4096 : i32
    %mul3A_44 = arith.constant 3 : i32
    %mul3A_45 = arith.muli %select_n3A, %mul3A_44 : i32
    %add3A_46 = arith.constant 0 : i32
    %add3A_47 = arith.addi %mul3A_45, %add3A_46 : i32
    %mul3A_48 = arith.constant 262144 : i32
    %mul3A_49 = arith.muli %add3A_47, %mul3A_48 : i32
    %mul3A_50 = arith.constant 131072 : i32
    %mul3A_51 = arith.muli %select_n3A_30, %mul3A_50 : i32
    %add3A_52 = arith.addi %mul3A_49, %mul3A_51 : i32
    %scan3A_53 = arith.constant 0 : i32
    %scan3A_54 = arith.constant 0 : i32
    %scan3A_55 = arith.constant 8 : i32
    %scan3A_56 = arith.addi %scan3A_54, %scan3A_55 : i32
    %scan3A_57 = arith.constant 1 : i32
    %scan3A_58 = scf.for %scan3A_118 = %scan3A_54 to %scan3A_56 step %scan3A_57 iter_args(%scan3A_119 = %scan3A_53) -> (i32)  : i32 {
      %mul3A_120 = arith.constant 16384 : i32
      %mul3A_121 = arith.muli %scan3A_118, %mul3A_120 : i32
      %add3A_122 = arith.addi %add3A_52, %mul3A_121 : i32
      "tpu.region"() ({
        %run_scoped3A = tpu.sem_alloc : memref<!tpu.dma_semaphore, #tpu.memory_space<semaphore_mem>>
        %dma_start3A = tpu.memref_slice %arg2[%add3A_122] : memref<12582912xf32, #tpu.memory_space<hbm>> -> memref<16384xf32, #tpu.memory_space<hbm>>
        %dma_start3A_131 = tpu.memref_slice %arg2[%add3A_122] : memref<12582912xf32, #tpu.memory_space<hbm>> -> memref<16384xf32, #tpu.memory_space<hbm>>
        tpu.enqueue_dma source(%dma_start3A_131 : memref<16384xf32, #tpu.memory_space<hbm>>) target(%arg6 : memref<16384xf32, #tpu.memory_space<vmem>>) target_semaphore(%run_scoped3A : memref<!tpu.dma_semaphore, #tpu.memory_space<semaphore_mem>>)
        %dma_wait3A = tpu.memref_slice %arg2[%add3A_122] : memref<12582912xf32, #tpu.memory_space<hbm>> -> memref<16384xf32, #tpu.memory_space<hbm>>
        %dma_wait3A_132 = tpu.memref_slice %arg2[%add3A_122] : memref<12582912xf32, #tpu.memory_space<hbm>> -> memref<16384xf32, #tpu.memory_space<hbm>>
        tpu.wait_dma2 semaphore(%run_scoped3A : memref<!tpu.dma_semaphore, #tpu.memory_space<semaphore_mem>>) src(%dma_wait3A_132 : memref<16384xf32, #tpu.memory_space<hbm>>) dst(%arg6 : memref<16384xf32, #tpu.memory_space<vmem>>)
        tpu.yield
      }) : () -> ()
      "tpu.region"() ({
        %run_scoped3A = tpu.sem_alloc : memref<!tpu.dma_semaphore, #tpu.memory_space<semaphore_mem>>
        %dma_start3A = tpu.memref_slice %arg3[%add3A_122] : memref<12582912xf32, #tpu.memory_space<hbm>> -> memref<16384xf32, #tpu.memory_space<hbm>>
        %dma_start3A_131 = tpu.memref_slice %arg3[%add3A_122] : memref<12582912xf32, #tpu.memory_space<hbm>> -> memref<16384xf32, #tpu.memory_space<hbm>>
        tpu.enqueue_dma source(%dma_start3A_131 : memref<16384xf32, #tpu.memory_space<hbm>>) target(%arg7 : memref<16384xf32, #tpu.memory_space<vmem>>) target_semaphore(%run_scoped3A : memref<!tpu.dma_semaphore, #tpu.memory_space<semaphore_mem>>)
        %dma_wait3A = tpu.memref_slice %arg3[%add3A_122] : memref<12582912xf32, #tpu.memory_space<hbm>> -> memref<16384xf32, #tpu.memory_space<hbm>>
        %dma_wait3A_132 = tpu.memref_slice %arg3[%add3A_122] : memref<12582912xf32, #tpu.memory_space<hbm>> -> memref<16384xf32, #tpu.memory_space<hbm>>
        tpu.wait_dma2 semaphore(%run_scoped3A : memref<!tpu.dma_semaphore, #tpu.memory_space<semaphore_mem>>) src(%dma_wait3A_132 : memref<16384xf32, #tpu.memory_space<hbm>>) dst(%arg7 : memref<16384xf32, #tpu.memory_space<vmem>>)
        tpu.yield
      }) : () -> ()
      %scan3A_123 = arith.constant 0 : i32
      %scan3A_124 = arith.constant 0 : i32
      %scan3A_125 = arith.constant 1024 : i32
      %scan3A_126 = arith.addi %scan3A_124, %scan3A_125 : i32
      %scan3A_127 = arith.constant 1 : i32
      %scan3A_128 = scf.for %scan3A_131 = %scan3A_124 to %scan3A_126 step %scan3A_127 iter_args(%scan3A_132 = %scan3A_123) -> (i32)  : i32 {
        %mul3A_133 = arith.constant 16 : i32
        %mul3A_134 = arith.muli %scan3A_131, %mul3A_133 : i32
        %get3A = arith.index_cast %mul3A_134 : i32 to index
        %get3A_135 = tpu.vector_load %arg6[%get3A] {strides = array<i32>} : memref<16384xf32, #tpu.memory_space<vmem>>, vector<16xf32>,
        %mul3A_136 = arith.constant 16 : i32
        %mul3A_137 = arith.muli %scan3A_131, %mul3A_136 : i32
        %get3A_138 = arith.index_cast %mul3A_137 : i32 to index
        %get3A_139 = tpu.vector_load %arg7[%get3A_138] {strides = array<i32>} : memref<16384xf32, #tpu.memory_space<vmem>>, vector<16xf32>,
        %mul3A_140 = arith.constant 2.000000e+00 : f32
        %mul3A_141 = vector.broadcast %mul3A_140 : f32 to vector<16xf32>
        %mul3A_142 = arith.mulf %mul3A_141, %get3A_139 : vector<16xf32>
        %sub3A_143 = arith.constant 1.000000e+00 : f32
        %sub3A_144 = vector.broadcast %sub3A_143 : f32 to vector<16xf32>
        %sub3A_145 = arith.subf %mul3A_142, %sub3A_144 : vector<16xf32>
        %mul3A_146 = arith.mulf %get3A_135, %sub3A_145 : vector<16xf32>
        %sub3A_147 = arith.constant 1.000000e+00 : f32
        %sub3A_148 = vector.broadcast %sub3A_147 : f32 to vector<16xf32>
        %sub3A_149 = arith.subf %sub3A_148, %mul3A_146 : vector<16xf32>
        %mul3A_150 = arith.constant 5.120000e+02 : f32
        %mul3A_151 = vector.broadcast %mul3A_150 : f32 to vector<16xf32>
        %mul3A_152 = arith.mulf %sub3A_149, %mul3A_151 : vector<16xf32>
        %convert_element_type3A = arith.fptosi %mul3A_152 : vector<16xf32> to vector<16xi32>
        %jit3A_153 = arith.constant 0 : i32
        %jit3A_154 = arith.constant 4095 : i32
        %max3A = vector.broadcast %jit3A_153 : i32 to vector<16xi32>
        %max3A_155 = arith.maxsi %max3A, %convert_element_type3A : vector<16xi32>
        %min3A = vector.broadcast %jit3A_154 : i32 to vector<16xi32>
        %min3A_156 = arith.minsi %min3A, %max3A_155 : vector<16xi32>
        %sub3A_157 = arith.subi %add3A_36, %min3A_156 : vector<16xi32>
        %convert_element_type3A_158 = arith.fptosi %get3A_139 : vector<16xf32> to vector<16xi32>
        %mul3A_159 = arith.constant 16384 : i32
        %mul3A_160 = vector.broadcast %mul3A_159 : i32 to vector<16xi32>
        %mul3A_161 = arith.muli %convert_element_type3A_158, %mul3A_160 : vector<16xi32>
        %add3A_162 = arith.constant 1 : i32
        %add3A_163 = vector.broadcast %add3A_162 : i32 to vector<16xi32>
        %add3A_164 = arith.addi %mul3A_161, %add3A_163 : vector<16xi32>
        tpu.vector_store_idx %arg5[%sub3A_157], %add3A_164 {add = true} : memref<65536xi32, #tpu.memory_space<vmem>>[vector<16xi32>], vector<16xi32>,
        %scan3A_165 = arith.constant 0 : i32
        scf.yield %scan3A_165 : i32
      }
      %scan3A_129 = arith.constant 1024 : i32
      %scan3A_130 = arith.constant 0 : i32
      scf.yield %scan3A_130 : i32
    }
    %scan3A_59 = arith.constant 8 : i32
    %add3A_60 = arith.constant 0 : i32
    %add3A_61 = arith.addi %add3A_60, %add3A : i32
    %mul3A_62 = arith.constant 65536 : i32
    %mul3A_63 = arith.muli %add3A_61, %mul3A_62 : i32
    "tpu.region"() ({
      %run_scoped3A = tpu.sem_alloc : memref<!tpu.dma_semaphore, #tpu.memory_space<semaphore_mem>>
      %dma_start3A = tpu.memref_slice %arg4[%mul3A_63] : memref<6291456xi32, #tpu.memory_space<hbm>> -> memref<65536xi32, #tpu.memory_space<hbm>>
      %dma_start3A_118 = tpu.memref_slice %arg4[%mul3A_63] : memref<6291456xi32, #tpu.memory_space<hbm>> -> memref<65536xi32, #tpu.memory_space<hbm>>
      tpu.enqueue_dma source(%arg5 : memref<65536xi32, #tpu.memory_space<vmem>>) target(%dma_start3A_118 : memref<65536xi32, #tpu.memory_space<hbm>>) target_semaphore(%run_scoped3A : memref<!tpu.dma_semaphore, #tpu.memory_space<semaphore_mem>>)
      %dma_wait3A = tpu.memref_slice %arg4[%mul3A_63] : memref<6291456xi32, #tpu.memory_space<hbm>> -> memref<65536xi32, #tpu.memory_space<hbm>>
      %dma_wait3A_119 = tpu.memref_slice %arg4[%mul3A_63] : memref<6291456xi32, #tpu.memory_space<hbm>> -> memref<65536xi32, #tpu.memory_space<hbm>>
      tpu.wait_dma2 semaphore(%run_scoped3A : memref<!tpu.dma_semaphore, #tpu.memory_space<semaphore_mem>>) src(%arg5 : memref<65536xi32, #tpu.memory_space<vmem>>) dst(%dma_wait3A_119 : memref<65536xi32, #tpu.memory_space<hbm>>)
      tpu.yield
    }) : () -> ()
    %scan3A_64 = arith.constant 0 : i32
    %scan3A_65 = arith.constant 0 : i32
    %scan3A_66 = arith.constant 4096 : i32
    %scan3A_67 = arith.addi %scan3A_65, %scan3A_66 : i32
    %scan3A_68 = arith.constant 1 : i32
    %scan3A_69 = scf.for %scan3A_118 = %scan3A_65 to %scan3A_67 step %scan3A_68 iter_args(%scan3A_119 = %scan3A_64) -> (i32)  : i32 {
      %mul3A_120 = arith.constant 16 : i32
      %mul3A_121 = arith.muli %scan3A_118, %mul3A_120 : i32
      %swap3A = arith.index_cast %mul3A_121 : i32 to index
      %swap3A_122 = tpu.vector_load %arg5[%swap3A] {strides = array<i32>} : memref<65536xi32, #tpu.memory_space<vmem>>, vector<16xi32>,
      tpu.vector_store %arg5[%swap3A], %broadcast_in_dim3A_37 {strides = array<i32>} : memref<65536xi32, #tpu.memory_space<vmem>>, vector<16xi32>,
      %scan3A_123 = arith.constant 0 : i32
      scf.yield %scan3A_123 : i32
    }
    %scan3A_70 = arith.constant 4096 : i32
    %mul3A_71 = arith.constant 3 : i32
    %mul3A_72 = arith.muli %select_n3A, %mul3A_71 : i32
    %add3A_73 = arith.constant 1 : i32
    %add3A_74 = arith.addi %mul3A_72, %add3A_73 : i32
    %mul3A_75 = arith.constant 262144 : i32
    %mul3A_76 = arith.muli %add3A_74, %mul3A_75 : i32
    %mul3A_77 = arith.constant 131072 : i32
    %mul3A_78 = arith.muli %select_n3A_30, %mul3A_77 : i32
    %add3A_79 = arith.addi %mul3A_76, %mul3A_78 : i32
    %scan3A_80 = arith.constant 0 : i32
    %scan3A_81 = arith.constant 0 : i32
    %scan3A_82 = arith.constant 8 : i32
    %scan3A_83 = arith.addi %scan3A_81, %scan3A_82 : i32
    %scan3A_84 = arith.constant 1 : i32
    %scan3A_85 = scf.for %scan3A_118 = %scan3A_81 to %scan3A_83 step %scan3A_84 iter_args(%scan3A_119 = %scan3A_80) -> (i32)  : i32 {
      %mul3A_120 = arith.constant 16384 : i32
      %mul3A_121 = arith.muli %scan3A_118, %mul3A_120 : i32
      %add3A_122 = arith.addi %add3A_79, %mul3A_121 : i32
      "tpu.region"() ({
        %run_scoped3A = tpu.sem_alloc : memref<!tpu.dma_semaphore, #tpu.memory_space<semaphore_mem>>
        %dma_start3A = tpu.memref_slice %arg2[%add3A_122] : memref<12582912xf32, #tpu.memory_space<hbm>> -> memref<16384xf32, #tpu.memory_space<hbm>>
        %dma_start3A_131 = tpu.memref_slice %arg2[%add3A_122] : memref<12582912xf32, #tpu.memory_space<hbm>> -> memref<16384xf32, #tpu.memory_space<hbm>>
        tpu.enqueue_dma source(%dma_start3A_131 : memref<16384xf32, #tpu.memory_space<hbm>>) target(%arg6 : memref<16384xf32, #tpu.memory_space<vmem>>) target_semaphore(%run_scoped3A : memref<!tpu.dma_semaphore, #tpu.memory_space<semaphore_mem>>)
        %dma_wait3A = tpu.memref_slice %arg2[%add3A_122] : memref<12582912xf32, #tpu.memory_space<hbm>> -> memref<16384xf32, #tpu.memory_space<hbm>>
        %dma_wait3A_132 = tpu.memref_slice %arg2[%add3A_122] : memref<12582912xf32, #tpu.memory_space<hbm>> -> memref<16384xf32, #tpu.memory_space<hbm>>
        tpu.wait_dma2 semaphore(%run_scoped3A : memref<!tpu.dma_semaphore, #tpu.memory_space<semaphore_mem>>) src(%dma_wait3A_132 : memref<16384xf32, #tpu.memory_space<hbm>>) dst(%arg6 : memref<16384xf32, #tpu.memory_space<vmem>>)
        tpu.yield
      }) : () -> ()
      "tpu.region"() ({
        %run_scoped3A = tpu.sem_alloc : memref<!tpu.dma_semaphore, #tpu.memory_space<semaphore_mem>>
        %dma_start3A = tpu.memref_slice %arg3[%add3A_122] : memref<12582912xf32, #tpu.memory_space<hbm>> -> memref<16384xf32, #tpu.memory_space<hbm>>
        %dma_start3A_131 = tpu.memref_slice %arg3[%add3A_122] : memref<12582912xf32, #tpu.memory_space<hbm>> -> memref<16384xf32, #tpu.memory_space<hbm>>
        tpu.enqueue_dma source(%dma_start3A_131 : memref<16384xf32, #tpu.memory_space<hbm>>) target(%arg7 : memref<16384xf32, #tpu.memory_space<vmem>>) target_semaphore(%run_scoped3A : memref<!tpu.dma_semaphore, #tpu.memory_space<semaphore_mem>>)
        %dma_wait3A = tpu.memref_slice %arg3[%add3A_122] : memref<12582912xf32, #tpu.memory_space<hbm>> -> memref<16384xf32, #tpu.memory_space<hbm>>
        %dma_wait3A_132 = tpu.memref_slice %arg3[%add3A_122] : memref<12582912xf32, #tpu.memory_space<hbm>> -> memref<16384xf32, #tpu.memory_space<hbm>>
        tpu.wait_dma2 semaphore(%run_scoped3A : memref<!tpu.dma_semaphore, #tpu.memory_space<semaphore_mem>>) src(%dma_wait3A_132 : memref<16384xf32, #tpu.memory_space<hbm>>) dst(%arg7 : memref<16384xf32, #tpu.memory_space<vmem>>)
        tpu.yield
      }) : () -> ()
      %scan3A_123 = arith.constant 0 : i32
      %scan3A_124 = arith.constant 0 : i32
      %scan3A_125 = arith.constant 1024 : i32
      %scan3A_126 = arith.addi %scan3A_124, %scan3A_125 : i32
      %scan3A_127 = arith.constant 1 : i32
      %scan3A_128 = scf.for %scan3A_131 = %scan3A_124 to %scan3A_126 step %scan3A_127 iter_args(%scan3A_132 = %scan3A_123) -> (i32)  : i32 {
        %mul3A_133 = arith.constant 16 : i32
        %mul3A_134 = arith.muli %scan3A_131, %mul3A_133 : i32
        %get3A = arith.index_cast %mul3A_134 : i32 to index
        %get3A_135 = tpu.vector_load %arg6[%get3A] {strides = array<i32>} : memref<16384xf32, #tpu.memory_space<vmem>>, vector<16xf32>,
        %mul3A_136 = arith.constant 16 : i32
        %mul3A_137 = arith.muli %scan3A_131, %mul3A_136 : i32
        %get3A_138 = arith.index_cast %mul3A_137 : i32 to index
        %get3A_139 = tpu.vector_load %arg7[%get3A_138] {strides = array<i32>} : memref<16384xf32, #tpu.memory_space<vmem>>, vector<16xf32>,
        %mul3A_140 = arith.constant 2.000000e+00 : f32
        %mul3A_141 = vector.broadcast %mul3A_140 : f32 to vector<16xf32>
        %mul3A_142 = arith.mulf %mul3A_141, %get3A_139 : vector<16xf32>
        %sub3A_143 = arith.constant 1.000000e+00 : f32
        %sub3A_144 = vector.broadcast %sub3A_143 : f32 to vector<16xf32>
        %sub3A_145 = arith.subf %mul3A_142, %sub3A_144 : vector<16xf32>
        %mul3A_146 = arith.mulf %get3A_135, %sub3A_145 : vector<16xf32>
        %sub3A_147 = arith.constant 1.000000e+00 : f32
        %sub3A_148 = vector.broadcast %sub3A_147 : f32 to vector<16xf32>
        %sub3A_149 = arith.subf %sub3A_148, %mul3A_146 : vector<16xf32>
        %mul3A_150 = arith.constant 5.120000e+02 : f32
        %mul3A_151 = vector.broadcast %mul3A_150 : f32 to vector<16xf32>
        %mul3A_152 = arith.mulf %sub3A_149, %mul3A_151 : vector<16xf32>
        %convert_element_type3A = arith.fptosi %mul3A_152 : vector<16xf32> to vector<16xi32>
        %jit3A_153 = arith.constant 0 : i32
        %jit3A_154 = arith.constant 4095 : i32
        %max3A = vector.broadcast %jit3A_153 : i32 to vector<16xi32>
        %max3A_155 = arith.maxsi %max3A, %convert_element_type3A : vector<16xi32>
        %min3A = vector.broadcast %jit3A_154 : i32 to vector<16xi32>
        %min3A_156 = arith.minsi %min3A, %max3A_155 : vector<16xi32>
        %sub3A_157 = arith.subi %add3A_36, %min3A_156 : vector<16xi32>
        %convert_element_type3A_158 = arith.fptosi %get3A_139 : vector<16xf32> to vector<16xi32>
        %mul3A_159 = arith.constant 16384 : i32
        %mul3A_160 = vector.broadcast %mul3A_159 : i32 to vector<16xi32>
        %mul3A_161 = arith.muli %convert_element_type3A_158, %mul3A_160 : vector<16xi32>
        %add3A_162 = arith.constant 1 : i32
        %add3A_163 = vector.broadcast %add3A_162 : i32 to vector<16xi32>
        %add3A_164 = arith.addi %mul3A_161, %add3A_163 : vector<16xi32>
        tpu.vector_store_idx %arg5[%sub3A_157], %add3A_164 {add = true} : memref<65536xi32, #tpu.memory_space<vmem>>[vector<16xi32>], vector<16xi32>,
        %scan3A_165 = arith.constant 0 : i32
        scf.yield %scan3A_165 : i32
      }
      %scan3A_129 = arith.constant 1024 : i32
      %scan3A_130 = arith.constant 0 : i32
      scf.yield %scan3A_130 : i32
    }
    %scan3A_86 = arith.constant 8 : i32
    %add3A_87 = arith.constant 32 : i32
    %add3A_88 = arith.addi %add3A_87, %add3A : i32
    %mul3A_89 = arith.constant 65536 : i32
    %mul3A_90 = arith.muli %add3A_88, %mul3A_89 : i32
    "tpu.region"() ({
      %run_scoped3A = tpu.sem_alloc : memref<!tpu.dma_semaphore, #tpu.memory_space<semaphore_mem>>
      %dma_start3A = tpu.memref_slice %arg4[%mul3A_90] : memref<6291456xi32, #tpu.memory_space<hbm>> -> memref<65536xi32, #tpu.memory_space<hbm>>
      %dma_start3A_118 = tpu.memref_slice %arg4[%mul3A_90] : memref<6291456xi32, #tpu.memory_space<hbm>> -> memref<65536xi32, #tpu.memory_space<hbm>>
      tpu.enqueue_dma source(%arg5 : memref<65536xi32, #tpu.memory_space<vmem>>) target(%dma_start3A_118 : memref<65536xi32, #tpu.memory_space<hbm>>) target_semaphore(%run_scoped3A : memref<!tpu.dma_semaphore, #tpu.memory_space<semaphore_mem>>)
      %dma_wait3A = tpu.memref_slice %arg4[%mul3A_90] : memref<6291456xi32, #tpu.memory_space<hbm>> -> memref<65536xi32, #tpu.memory_space<hbm>>
      %dma_wait3A_119 = tpu.memref_slice %arg4[%mul3A_90] : memref<6291456xi32, #tpu.memory_space<hbm>> -> memref<65536xi32, #tpu.memory_space<hbm>>
      tpu.wait_dma2 semaphore(%run_scoped3A : memref<!tpu.dma_semaphore, #tpu.memory_space<semaphore_mem>>) src(%arg5 : memref<65536xi32, #tpu.memory_space<vmem>>) dst(%dma_wait3A_119 : memref<65536xi32, #tpu.memory_space<hbm>>)
      tpu.yield
    }) : () -> ()
    %scan3A_91 = arith.constant 0 : i32
    %scan3A_92 = arith.constant 0 : i32
    %scan3A_93 = arith.constant 4096 : i32
    %scan3A_94 = arith.addi %scan3A_92, %scan3A_93 : i32
    %scan3A_95 = arith.constant 1 : i32
    %scan3A_96 = scf.for %scan3A_118 = %scan3A_92 to %scan3A_94 step %scan3A_95 iter_args(%scan3A_119 = %scan3A_91) -> (i32)  : i32 {
      %mul3A_120 = arith.constant 16 : i32
      %mul3A_121 = arith.muli %scan3A_118, %mul3A_120 : i32
      %swap3A = arith.index_cast %mul3A_121 : i32 to index
      %swap3A_122 = tpu.vector_load %arg5[%swap3A] {strides = array<i32>} : memref<65536xi32, #tpu.memory_space<vmem>>, vector<16xi32>,
      tpu.vector_store %arg5[%swap3A], %broadcast_in_dim3A_37 {strides = array<i32>} : memref<65536xi32, #tpu.memory_space<vmem>>, vector<16xi32>,
      %scan3A_123 = arith.constant 0 : i32
      scf.yield %scan3A_123 : i32
    }
    %scan3A_97 = arith.constant 4096 : i32
    %mul3A_98 = arith.constant 3 : i32
    %mul3A_99 = arith.muli %select_n3A, %mul3A_98 : i32
    %add3A_100 = arith.constant 2 : i32
    %add3A_101 = arith.addi %mul3A_99, %add3A_100 : i32
    %mul3A_102 = arith.constant 262144 : i32
    %mul3A_103 = arith.muli %add3A_101, %mul3A_102 : i32
    %mul3A_104 = arith.constant 131072 : i32
    %mul3A_105 = arith.muli %select_n3A_30, %mul3A_104 : i32
    %add3A_106 = arith.addi %mul3A_103, %mul3A_105 : i32
    %scan3A_107 = arith.constant 0 : i32
    %scan3A_108 = arith.constant 0 : i32
    %scan3A_109 = arith.constant 8 : i32
    %scan3A_110 = arith.addi %scan3A_108, %scan3A_109 : i32
    %scan3A_111 = arith.constant 1 : i32
    %scan3A_112 = scf.for %scan3A_118 = %scan3A_108 to %scan3A_110 step %scan3A_111 iter_args(%scan3A_119 = %scan3A_107) -> (i32)  : i32 {
      %mul3A_120 = arith.constant 16384 : i32
      %mul3A_121 = arith.muli %scan3A_118, %mul3A_120 : i32
      %add3A_122 = arith.addi %add3A_106, %mul3A_121 : i32
      "tpu.region"() ({
        %run_scoped3A = tpu.sem_alloc : memref<!tpu.dma_semaphore, #tpu.memory_space<semaphore_mem>>
        %dma_start3A = tpu.memref_slice %arg2[%add3A_122] : memref<12582912xf32, #tpu.memory_space<hbm>> -> memref<16384xf32, #tpu.memory_space<hbm>>
        %dma_start3A_131 = tpu.memref_slice %arg2[%add3A_122] : memref<12582912xf32, #tpu.memory_space<hbm>> -> memref<16384xf32, #tpu.memory_space<hbm>>
        tpu.enqueue_dma source(%dma_start3A_131 : memref<16384xf32, #tpu.memory_space<hbm>>) target(%arg6 : memref<16384xf32, #tpu.memory_space<vmem>>) target_semaphore(%run_scoped3A : memref<!tpu.dma_semaphore, #tpu.memory_space<semaphore_mem>>)
        %dma_wait3A = tpu.memref_slice %arg2[%add3A_122] : memref<12582912xf32, #tpu.memory_space<hbm>> -> memref<16384xf32, #tpu.memory_space<hbm>>
        %dma_wait3A_132 = tpu.memref_slice %arg2[%add3A_122] : memref<12582912xf32, #tpu.memory_space<hbm>> -> memref<16384xf32, #tpu.memory_space<hbm>>
        tpu.wait_dma2 semaphore(%run_scoped3A : memref<!tpu.dma_semaphore, #tpu.memory_space<semaphore_mem>>) src(%dma_wait3A_132 : memref<16384xf32, #tpu.memory_space<hbm>>) dst(%arg6 : memref<16384xf32, #tpu.memory_space<vmem>>)
        tpu.yield
      }) : () -> ()
      "tpu.region"() ({
        %run_scoped3A = tpu.sem_alloc : memref<!tpu.dma_semaphore, #tpu.memory_space<semaphore_mem>>
        %dma_start3A = tpu.memref_slice %arg3[%add3A_122] : memref<12582912xf32, #tpu.memory_space<hbm>> -> memref<16384xf32, #tpu.memory_space<hbm>>
        %dma_start3A_131 = tpu.memref_slice %arg3[%add3A_122] : memref<12582912xf32, #tpu.memory_space<hbm>> -> memref<16384xf32, #tpu.memory_space<hbm>>
        tpu.enqueue_dma source(%dma_start3A_131 : memref<16384xf32, #tpu.memory_space<hbm>>) target(%arg7 : memref<16384xf32, #tpu.memory_space<vmem>>) target_semaphore(%run_scoped3A : memref<!tpu.dma_semaphore, #tpu.memory_space<semaphore_mem>>)
        %dma_wait3A = tpu.memref_slice %arg3[%add3A_122] : memref<12582912xf32, #tpu.memory_space<hbm>> -> memref<16384xf32, #tpu.memory_space<hbm>>
        %dma_wait3A_132 = tpu.memref_slice %arg3[%add3A_122] : memref<12582912xf32, #tpu.memory_space<hbm>> -> memref<16384xf32, #tpu.memory_space<hbm>>
        tpu.wait_dma2 semaphore(%run_scoped3A : memref<!tpu.dma_semaphore, #tpu.memory_space<semaphore_mem>>) src(%dma_wait3A_132 : memref<16384xf32, #tpu.memory_space<hbm>>) dst(%arg7 : memref<16384xf32, #tpu.memory_space<vmem>>)
        tpu.yield
      }) : () -> ()
      %scan3A_123 = arith.constant 0 : i32
      %scan3A_124 = arith.constant 0 : i32
      %scan3A_125 = arith.constant 1024 : i32
      %scan3A_126 = arith.addi %scan3A_124, %scan3A_125 : i32
      %scan3A_127 = arith.constant 1 : i32
      %scan3A_128 = scf.for %scan3A_131 = %scan3A_124 to %scan3A_126 step %scan3A_127 iter_args(%scan3A_132 = %scan3A_123) -> (i32)  : i32 {
        %mul3A_133 = arith.constant 16 : i32
        %mul3A_134 = arith.muli %scan3A_131, %mul3A_133 : i32
        %get3A = arith.index_cast %mul3A_134 : i32 to index
        %get3A_135 = tpu.vector_load %arg6[%get3A] {strides = array<i32>} : memref<16384xf32, #tpu.memory_space<vmem>>, vector<16xf32>,
        %mul3A_136 = arith.constant 16 : i32
        %mul3A_137 = arith.muli %scan3A_131, %mul3A_136 : i32
        %get3A_138 = arith.index_cast %mul3A_137 : i32 to index
        %get3A_139 = tpu.vector_load %arg7[%get3A_138] {strides = array<i32>} : memref<16384xf32, #tpu.memory_space<vmem>>, vector<16xf32>,
        %mul3A_140 = arith.constant 2.000000e+00 : f32
        %mul3A_141 = vector.broadcast %mul3A_140 : f32 to vector<16xf32>
        %mul3A_142 = arith.mulf %mul3A_141, %get3A_139 : vector<16xf32>
        %sub3A_143 = arith.constant 1.000000e+00 : f32
        %sub3A_144 = vector.broadcast %sub3A_143 : f32 to vector<16xf32>
        %sub3A_145 = arith.subf %mul3A_142, %sub3A_144 : vector<16xf32>
        %mul3A_146 = arith.mulf %get3A_135, %sub3A_145 : vector<16xf32>
        %sub3A_147 = arith.constant 1.000000e+00 : f32
        %sub3A_148 = vector.broadcast %sub3A_147 : f32 to vector<16xf32>
        %sub3A_149 = arith.subf %sub3A_148, %mul3A_146 : vector<16xf32>
        %mul3A_150 = arith.constant 5.120000e+02 : f32
        %mul3A_151 = vector.broadcast %mul3A_150 : f32 to vector<16xf32>
        %mul3A_152 = arith.mulf %sub3A_149, %mul3A_151 : vector<16xf32>
        %convert_element_type3A = arith.fptosi %mul3A_152 : vector<16xf32> to vector<16xi32>
        %jit3A_153 = arith.constant 0 : i32
        %jit3A_154 = arith.constant 4095 : i32
        %max3A = vector.broadcast %jit3A_153 : i32 to vector<16xi32>
        %max3A_155 = arith.maxsi %max3A, %convert_element_type3A : vector<16xi32>
        %min3A = vector.broadcast %jit3A_154 : i32 to vector<16xi32>
        %min3A_156 = arith.minsi %min3A, %max3A_155 : vector<16xi32>
        %sub3A_157 = arith.subi %add3A_36, %min3A_156 : vector<16xi32>
        %convert_element_type3A_158 = arith.fptosi %get3A_139 : vector<16xf32> to vector<16xi32>
        %mul3A_159 = arith.constant 16384 : i32
        %mul3A_160 = vector.broadcast %mul3A_159 : i32 to vector<16xi32>
        %mul3A_161 = arith.muli %convert_element_type3A_158, %mul3A_160 : vector<16xi32>
        %add3A_162 = arith.constant 1 : i32
        %add3A_163 = vector.broadcast %add3A_162 : i32 to vector<16xi32>
        %add3A_164 = arith.addi %mul3A_161, %add3A_163 : vector<16xi32>
        tpu.vector_store_idx %arg5[%sub3A_157], %add3A_164 {add = true} : memref<65536xi32, #tpu.memory_space<vmem>>[vector<16xi32>], vector<16xi32>,
        %scan3A_165 = arith.constant 0 : i32
        scf.yield %scan3A_165 : i32
      }
      %scan3A_129 = arith.constant 1024 : i32
      %scan3A_130 = arith.constant 0 : i32
      scf.yield %scan3A_130 : i32
    }
    %scan3A_113 = arith.constant 8 : i32
    %add3A_114 = arith.constant 64 : i32
    %add3A_115 = arith.addi %add3A_114, %add3A : i32
    %mul3A_116 = arith.constant 65536 : i32
    %mul3A_117 = arith.muli %add3A_115, %mul3A_116 : i32
    "tpu.region"() ({
      %run_scoped3A = tpu.sem_alloc : memref<!tpu.dma_semaphore, #tpu.memory_space<semaphore_mem>>
      %dma_start3A = tpu.memref_slice %arg4[%mul3A_117] : memref<6291456xi32, #tpu.memory_space<hbm>> -> memref<65536xi32, #tpu.memory_space<hbm>>
      %dma_start3A_118 = tpu.memref_slice %arg4[%mul3A_117] : memref<6291456xi32, #tpu.memory_space<hbm>> -> memref<65536xi32, #tpu.memory_space<hbm>>
      tpu.enqueue_dma source(%arg5 : memref<65536xi32, #tpu.memory_space<vmem>>) target(%dma_start3A_118 : memref<65536xi32, #tpu.memory_space<hbm>>) target_semaphore(%run_scoped3A : memref<!tpu.dma_semaphore, #tpu.memory_space<semaphore_mem>>)
      %dma_wait3A = tpu.memref_slice %arg4[%mul3A_117] : memref<6291456xi32, #tpu.memory_space<hbm>> -> memref<65536xi32, #tpu.memory_space<hbm>>
      %dma_wait3A_119 = tpu.memref_slice %arg4[%mul3A_117] : memref<6291456xi32, #tpu.memory_space<hbm>> -> memref<65536xi32, #tpu.memory_space<hbm>>
      tpu.wait_dma2 semaphore(%run_scoped3A : memref<!tpu.dma_semaphore, #tpu.memory_space<semaphore_mem>>) src(%arg5 : memref<65536xi32, #tpu.memory_space<vmem>>) dst(%dma_wait3A_119 : memref<65536xi32, #tpu.memory_space<hbm>>)
      tpu.yield
    }) : () -> ()
    return
  }
}

module attributes {stable_mosaic.version = 14 : i64} {
  func.func @_finalize_body(%arg0: memref<3x512x32x128xi32, #tpu.memory_space<vmem>>, %arg1: memref<3xf32, #tpu.memory_space<smem>>, %arg2: memref<1x1xf32, #tpu.memory_space<smem>>) attributes {dimension_semantics = [], scalar_prefetch = 0 : i64, scratch_operands = 0 : i64, tpu.core_type = #tpu.core_type<tc>} {
    %broadcast_in_dim3A = arith.constant 0 : i32
    %broadcast_in_dim3A_0 = vector.broadcast %broadcast_in_dim3A : i32 to vector<32x128xi32>
    %scan3A = arith.constant 0 : i32
    %scan3A_1 = arith.constant 64 : i32
    %scan3A_2 = arith.addi %scan3A, %scan3A_1 : i32
    %scan3A_3 = arith.constant 1 : i32
    %scan3A_4:2 = scf.for %scan3A_572 = %scan3A to %scan3A_2 step %scan3A_3 iter_args(%scan3A_573 = %broadcast_in_dim3A_0, %scan3A_574 = %broadcast_in_dim3A_0) -> (vector<32x128xi32>, vector<32x128xi32>)  : i32 {
      %mul3A_575 = arith.constant 8 : i32
      %mul3A_576 = arith.muli %scan3A_572, %mul3A_575 : i32
      %get3A_577 = arith.constant 0 : index
      %get3A_578 = arith.index_cast %mul3A_576 : i32 to index
      %get3A_579 = arith.constant 0 : index
      %get3A_580 = arith.constant 0 : index
      %get3A_581 = vector.load %arg0[%get3A_577, %get3A_578, %get3A_579, %get3A_580] : memref<3x512x32x128xi32, #tpu.memory_space<vmem>>, vector<1x8x32x128xi32>
      %get3A_582 = vector.shape_cast %get3A_581 : vector<1x8x32x128xi32> to vector<8x32x128xi32>
      %and3A = arith.constant 16383 : i32
      %and3A_583 = vector.broadcast %and3A : i32 to vector<8x32x128xi32>
      %and3A_584 = arith.andi %get3A_582, %and3A_583 : vector<8x32x128xi32>
      %reduce_sum3A_585 = arith.constant dense<0> : vector<32x128xi32>
      %reduce_sum3A_586 = vector.multi_reduction <add>, %and3A_584, %reduce_sum3A_585 [0] : vector<8x32x128xi32> to vector<32x128xi32>
      %add3A_587 = arith.addi %scan3A_573, %reduce_sum3A_586 : vector<32x128xi32>
      %shift_right_arithmetic3A = arith.constant 14 : i32
      %shift_right_arithmetic3A_588 = vector.broadcast %shift_right_arithmetic3A : i32 to vector<8x32x128xi32>
      %shift_right_arithmetic3A_589 = arith.shrsi %get3A_582, %shift_right_arithmetic3A_588 : vector<8x32x128xi32>
      %reduce_sum3A_590 = arith.constant dense<0> : vector<32x128xi32>
      %reduce_sum3A_591 = vector.multi_reduction <add>, %shift_right_arithmetic3A_589, %reduce_sum3A_590 [0] : vector<8x32x128xi32> to vector<32x128xi32>
      %add3A_592 = arith.addi %scan3A_574, %reduce_sum3A_591 : vector<32x128xi32>
      scf.yield %add3A_587, %add3A_592 : vector<32x128xi32>, vector<32x128xi32>
    }
    %scan3A_5 = arith.constant 64 : i32
    %broadcast_in_dim3A_6 = arith.constant 0 : i32
    %broadcast_in_dim3A_7 = vector.broadcast %broadcast_in_dim3A_6 : i32 to vector<32x1xi32>
    %slice3A = vector.extract_strided_slice %scan3A_4#0 {offsets = [0, 0], sizes = [32, 127], strides = [1, 1]} : vector<32x128xi32> to vector<32x127xi32>
    %concatenate3A = tpu.concatenate %broadcast_in_dim3A_7, %slice3A in 1 : vector<32x1xi32>, vector<32x127xi32> -> vector<32x128xi32>
    %add3A = arith.addi %scan3A_4#0, %concatenate3A : vector<32x128xi32>
    %broadcast_in_dim3A_8 = arith.constant 0 : i32
    %broadcast_in_dim3A_9 = vector.broadcast %broadcast_in_dim3A_8 : i32 to vector<32x1xi32>
    %slice3A_10 = vector.extract_strided_slice %scan3A_4#1 {offsets = [0, 0], sizes = [32, 127], strides = [1, 1]} : vector<32x128xi32> to vector<32x127xi32>
    %concatenate3A_11 = tpu.concatenate %broadcast_in_dim3A_9, %slice3A_10 in 1 : vector<32x1xi32>, vector<32x127xi32> -> vector<32x128xi32>
    %add3A_12 = arith.addi %scan3A_4#1, %concatenate3A_11 : vector<32x128xi32>
    %broadcast_in_dim3A_13 = arith.constant 0 : i32
    %broadcast_in_dim3A_14 = vector.broadcast %broadcast_in_dim3A_13 : i32 to vector<32x2xi32>
    %slice3A_15 = vector.extract_strided_slice %add3A {offsets = [0, 0], sizes = [32, 126], strides = [1, 1]} : vector<32x128xi32> to vector<32x126xi32>
    %concatenate3A_16 = tpu.concatenate %broadcast_in_dim3A_14, %slice3A_15 in 1 : vector<32x2xi32>, vector<32x126xi32> -> vector<32x128xi32>
    %add3A_17 = arith.addi %add3A, %concatenate3A_16 : vector<32x128xi32>
    %broadcast_in_dim3A_18 = arith.constant 0 : i32
    %broadcast_in_dim3A_19 = vector.broadcast %broadcast_in_dim3A_18 : i32 to vector<32x2xi32>
    %slice3A_20 = vector.extract_strided_slice %add3A_12 {offsets = [0, 0], sizes = [32, 126], strides = [1, 1]} : vector<32x128xi32> to vector<32x126xi32>
    %concatenate3A_21 = tpu.concatenate %broadcast_in_dim3A_19, %slice3A_20 in 1 : vector<32x2xi32>, vector<32x126xi32> -> vector<32x128xi32>
    %add3A_22 = arith.addi %add3A_12, %concatenate3A_21 : vector<32x128xi32>
    %broadcast_in_dim3A_23 = arith.constant 0 : i32
    %broadcast_in_dim3A_24 = vector.broadcast %broadcast_in_dim3A_23 : i32 to vector<32x4xi32>
    %slice3A_25 = vector.extract_strided_slice %add3A_17 {offsets = [0, 0], sizes = [32, 124], strides = [1, 1]} : vector<32x128xi32> to vector<32x124xi32>
    %concatenate3A_26 = tpu.concatenate %broadcast_in_dim3A_24, %slice3A_25 in 1 : vector<32x4xi32>, vector<32x124xi32> -> vector<32x128xi32>
    %add3A_27 = arith.addi %add3A_17, %concatenate3A_26 : vector<32x128xi32>
    %broadcast_in_dim3A_28 = arith.constant 0 : i32
    %broadcast_in_dim3A_29 = vector.broadcast %broadcast_in_dim3A_28 : i32 to vector<32x4xi32>
    %slice3A_30 = vector.extract_strided_slice %add3A_22 {offsets = [0, 0], sizes = [32, 124], strides = [1, 1]} : vector<32x128xi32> to vector<32x124xi32>
    %concatenate3A_31 = tpu.concatenate %broadcast_in_dim3A_29, %slice3A_30 in 1 : vector<32x4xi32>, vector<32x124xi32> -> vector<32x128xi32>
    %add3A_32 = arith.addi %add3A_22, %concatenate3A_31 : vector<32x128xi32>
    %broadcast_in_dim3A_33 = arith.constant 0 : i32
    %broadcast_in_dim3A_34 = vector.broadcast %broadcast_in_dim3A_33 : i32 to vector<32x8xi32>
    %slice3A_35 = vector.extract_strided_slice %add3A_27 {offsets = [0, 0], sizes = [32, 120], strides = [1, 1]} : vector<32x128xi32> to vector<32x120xi32>
    %concatenate3A_36 = tpu.concatenate %broadcast_in_dim3A_34, %slice3A_35 in 1 : vector<32x8xi32>, vector<32x120xi32> -> vector<32x128xi32>
    %add3A_37 = arith.addi %add3A_27, %concatenate3A_36 : vector<32x128xi32>
    %broadcast_in_dim3A_38 = arith.constant 0 : i32
    %broadcast_in_dim3A_39 = vector.broadcast %broadcast_in_dim3A_38 : i32 to vector<32x8xi32>
    %slice3A_40 = vector.extract_strided_slice %add3A_32 {offsets = [0, 0], sizes = [32, 120], strides = [1, 1]} : vector<32x128xi32> to vector<32x120xi32>
    %concatenate3A_41 = tpu.concatenate %broadcast_in_dim3A_39, %slice3A_40 in 1 : vector<32x8xi32>, vector<32x120xi32> -> vector<32x128xi32>
    %add3A_42 = arith.addi %add3A_32, %concatenate3A_41 : vector<32x128xi32>
    %broadcast_in_dim3A_43 = arith.constant 0 : i32
    %broadcast_in_dim3A_44 = vector.broadcast %broadcast_in_dim3A_43 : i32 to vector<32x16xi32>
    %slice3A_45 = vector.extract_strided_slice %add3A_37 {offsets = [0, 0], sizes = [32, 112], strides = [1, 1]} : vector<32x128xi32> to vector<32x112xi32>
    %concatenate3A_46 = tpu.concatenate %broadcast_in_dim3A_44, %slice3A_45 in 1 : vector<32x16xi32>, vector<32x112xi32> -> vector<32x128xi32>
    %add3A_47 = arith.addi %add3A_37, %concatenate3A_46 : vector<32x128xi32>
    %broadcast_in_dim3A_48 = arith.constant 0 : i32
    %broadcast_in_dim3A_49 = vector.broadcast %broadcast_in_dim3A_48 : i32 to vector<32x16xi32>
    %slice3A_50 = vector.extract_strided_slice %add3A_42 {offsets = [0, 0], sizes = [32, 112], strides = [1, 1]} : vector<32x128xi32> to vector<32x112xi32>
    %concatenate3A_51 = tpu.concatenate %broadcast_in_dim3A_49, %slice3A_50 in 1 : vector<32x16xi32>, vector<32x112xi32> -> vector<32x128xi32>
    %add3A_52 = arith.addi %add3A_42, %concatenate3A_51 : vector<32x128xi32>
    %broadcast_in_dim3A_53 = arith.constant 0 : i32
    %broadcast_in_dim3A_54 = vector.broadcast %broadcast_in_dim3A_53 : i32 to vector<32x32xi32>
    %slice3A_55 = vector.extract_strided_slice %add3A_47 {offsets = [0, 0], sizes = [32, 96], strides = [1, 1]} : vector<32x128xi32> to vector<32x96xi32>
    %concatenate3A_56 = tpu.concatenate %broadcast_in_dim3A_54, %slice3A_55 in 1 : vector<32x32xi32>, vector<32x96xi32> -> vector<32x128xi32>
    %add3A_57 = arith.addi %add3A_47, %concatenate3A_56 : vector<32x128xi32>
    %broadcast_in_dim3A_58 = arith.constant 0 : i32
    %broadcast_in_dim3A_59 = vector.broadcast %broadcast_in_dim3A_58 : i32 to vector<32x32xi32>
    %slice3A_60 = vector.extract_strided_slice %add3A_52 {offsets = [0, 0], sizes = [32, 96], strides = [1, 1]} : vector<32x128xi32> to vector<32x96xi32>
    %concatenate3A_61 = tpu.concatenate %broadcast_in_dim3A_59, %slice3A_60 in 1 : vector<32x32xi32>, vector<32x96xi32> -> vector<32x128xi32>
    %add3A_62 = arith.addi %add3A_52, %concatenate3A_61 : vector<32x128xi32>
    %broadcast_in_dim3A_63 = arith.constant 0 : i32
    %broadcast_in_dim3A_64 = vector.broadcast %broadcast_in_dim3A_63 : i32 to vector<32x64xi32>
    %slice3A_65 = vector.extract_strided_slice %add3A_57 {offsets = [0, 0], sizes = [32, 64], strides = [1, 1]} : vector<32x128xi32> to vector<32x64xi32>
    %concatenate3A_66 = tpu.concatenate %broadcast_in_dim3A_64, %slice3A_65 in 1 : vector<32x64xi32>, vector<32x64xi32> -> vector<32x128xi32>
    %add3A_67 = arith.addi %add3A_57, %concatenate3A_66 : vector<32x128xi32>
    %broadcast_in_dim3A_68 = arith.constant 0 : i32
    %broadcast_in_dim3A_69 = vector.broadcast %broadcast_in_dim3A_68 : i32 to vector<32x64xi32>
    %slice3A_70 = vector.extract_strided_slice %add3A_62 {offsets = [0, 0], sizes = [32, 64], strides = [1, 1]} : vector<32x128xi32> to vector<32x64xi32>
    %concatenate3A_71 = tpu.concatenate %broadcast_in_dim3A_69, %slice3A_70 in 1 : vector<32x64xi32>, vector<32x64xi32> -> vector<32x128xi32>
    %add3A_72 = arith.addi %add3A_62, %concatenate3A_71 : vector<32x128xi32>
    %slice3A_73 = vector.extract_strided_slice %add3A_67 {offsets = [0, 127], sizes = [32, 1], strides = [1, 1]} : vector<32x128xi32> to vector<32x1xi32>
    %slice3A_74 = vector.extract_strided_slice %add3A_72 {offsets = [0, 127], sizes = [32, 1], strides = [1, 1]} : vector<32x128xi32> to vector<32x1xi32>
    %broadcast_in_dim3A_75 = arith.constant 0 : i32
    %broadcast_in_dim3A_76 = vector.broadcast %broadcast_in_dim3A_75 : i32 to vector<1x1xi32>
    %slice3A_77 = vector.extract_strided_slice %slice3A_73 {offsets = [0, 0], sizes = [31, 1], strides = [1, 1]} : vector<32x1xi32> to vector<31x1xi32>
    %concatenate3A_78 = tpu.concatenate %broadcast_in_dim3A_76, %slice3A_77 in 0 : vector<1x1xi32>, vector<31x1xi32> -> vector<32x1xi32>
    %add3A_79 = arith.addi %slice3A_73, %concatenate3A_78 : vector<32x1xi32>
    %broadcast_in_dim3A_80 = arith.constant 0 : i32
    %broadcast_in_dim3A_81 = vector.broadcast %broadcast_in_dim3A_80 : i32 to vector<1x1xi32>
    %slice3A_82 = vector.extract_strided_slice %slice3A_74 {offsets = [0, 0], sizes = [31, 1], strides = [1, 1]} : vector<32x1xi32> to vector<31x1xi32>
    %concatenate3A_83 = tpu.concatenate %broadcast_in_dim3A_81, %slice3A_82 in 0 : vector<1x1xi32>, vector<31x1xi32> -> vector<32x1xi32>
    %add3A_84 = arith.addi %slice3A_74, %concatenate3A_83 : vector<32x1xi32>
    %broadcast_in_dim3A_85 = arith.constant 0 : i32
    %broadcast_in_dim3A_86 = vector.broadcast %broadcast_in_dim3A_85 : i32 to vector<2x1xi32>
    %slice3A_87 = vector.extract_strided_slice %add3A_79 {offsets = [0, 0], sizes = [30, 1], strides = [1, 1]} : vector<32x1xi32> to vector<30x1xi32>
    %concatenate3A_88 = tpu.concatenate %broadcast_in_dim3A_86, %slice3A_87 in 0 : vector<2x1xi32>, vector<30x1xi32> -> vector<32x1xi32>
    %add3A_89 = arith.addi %add3A_79, %concatenate3A_88 : vector<32x1xi32>
    %broadcast_in_dim3A_90 = arith.constant 0 : i32
    %broadcast_in_dim3A_91 = vector.broadcast %broadcast_in_dim3A_90 : i32 to vector<2x1xi32>
    %slice3A_92 = vector.extract_strided_slice %add3A_84 {offsets = [0, 0], sizes = [30, 1], strides = [1, 1]} : vector<32x1xi32> to vector<30x1xi32>
    %concatenate3A_93 = tpu.concatenate %broadcast_in_dim3A_91, %slice3A_92 in 0 : vector<2x1xi32>, vector<30x1xi32> -> vector<32x1xi32>
    %add3A_94 = arith.addi %add3A_84, %concatenate3A_93 : vector<32x1xi32>
    %broadcast_in_dim3A_95 = arith.constant 0 : i32
    %broadcast_in_dim3A_96 = vector.broadcast %broadcast_in_dim3A_95 : i32 to vector<4x1xi32>
    %slice3A_97 = vector.extract_strided_slice %add3A_89 {offsets = [0, 0], sizes = [28, 1], strides = [1, 1]} : vector<32x1xi32> to vector<28x1xi32>
    %concatenate3A_98 = tpu.concatenate %broadcast_in_dim3A_96, %slice3A_97 in 0 : vector<4x1xi32>, vector<28x1xi32> -> vector<32x1xi32>
    %add3A_99 = arith.addi %add3A_89, %concatenate3A_98 : vector<32x1xi32>
    %broadcast_in_dim3A_100 = arith.constant 0 : i32
    %broadcast_in_dim3A_101 = vector.broadcast %broadcast_in_dim3A_100 : i32 to vector<4x1xi32>
    %slice3A_102 = vector.extract_strided_slice %add3A_94 {offsets = [0, 0], sizes = [28, 1], strides = [1, 1]} : vector<32x1xi32> to vector<28x1xi32>
    %concatenate3A_103 = tpu.concatenate %broadcast_in_dim3A_101, %slice3A_102 in 0 : vector<4x1xi32>, vector<28x1xi32> -> vector<32x1xi32>
    %add3A_104 = arith.addi %add3A_94, %concatenate3A_103 : vector<32x1xi32>
    %broadcast_in_dim3A_105 = arith.constant 0 : i32
    %broadcast_in_dim3A_106 = vector.broadcast %broadcast_in_dim3A_105 : i32 to vector<8x1xi32>
    %slice3A_107 = vector.extract_strided_slice %add3A_99 {offsets = [0, 0], sizes = [24, 1], strides = [1, 1]} : vector<32x1xi32> to vector<24x1xi32>
    %concatenate3A_108 = tpu.concatenate %broadcast_in_dim3A_106, %slice3A_107 in 0 : vector<8x1xi32>, vector<24x1xi32> -> vector<32x1xi32>
    %add3A_109 = arith.addi %add3A_99, %concatenate3A_108 : vector<32x1xi32>
    %broadcast_in_dim3A_110 = arith.constant 0 : i32
    %broadcast_in_dim3A_111 = vector.broadcast %broadcast_in_dim3A_110 : i32 to vector<8x1xi32>
    %slice3A_112 = vector.extract_strided_slice %add3A_104 {offsets = [0, 0], sizes = [24, 1], strides = [1, 1]} : vector<32x1xi32> to vector<24x1xi32>
    %concatenate3A_113 = tpu.concatenate %broadcast_in_dim3A_111, %slice3A_112 in 0 : vector<8x1xi32>, vector<24x1xi32> -> vector<32x1xi32>
    %add3A_114 = arith.addi %add3A_104, %concatenate3A_113 : vector<32x1xi32>
    %broadcast_in_dim3A_115 = arith.constant 0 : i32
    %broadcast_in_dim3A_116 = vector.broadcast %broadcast_in_dim3A_115 : i32 to vector<16x1xi32>
    %slice3A_117 = vector.extract_strided_slice %add3A_109 {offsets = [0, 0], sizes = [16, 1], strides = [1, 1]} : vector<32x1xi32> to vector<16x1xi32>
    %concatenate3A_118 = tpu.concatenate %broadcast_in_dim3A_116, %slice3A_117 in 0 : vector<16x1xi32>, vector<16x1xi32> -> vector<32x1xi32>
    %add3A_119 = arith.addi %add3A_109, %concatenate3A_118 : vector<32x1xi32>
    %broadcast_in_dim3A_120 = arith.constant 0 : i32
    %broadcast_in_dim3A_121 = vector.broadcast %broadcast_in_dim3A_120 : i32 to vector<16x1xi32>
    %slice3A_122 = vector.extract_strided_slice %add3A_114 {offsets = [0, 0], sizes = [16, 1], strides = [1, 1]} : vector<32x1xi32> to vector<16x1xi32>
    %concatenate3A_123 = tpu.concatenate %broadcast_in_dim3A_121, %slice3A_122 in 0 : vector<16x1xi32>, vector<16x1xi32> -> vector<32x1xi32>
    %add3A_124 = arith.addi %add3A_114, %concatenate3A_123 : vector<32x1xi32>
    %sub3A = arith.subi %add3A_119, %slice3A_73 : vector<32x1xi32>
    %add3A_125 = vector.broadcast %sub3A : vector<32x1xi32> to vector<32x128xi32>
    %add3A_126 = arith.addi %add3A_67, %add3A_125 : vector<32x128xi32>
    %sub3A_127 = arith.subi %add3A_124, %slice3A_74 : vector<32x1xi32>
    %add3A_128 = vector.broadcast %sub3A_127 : vector<32x1xi32> to vector<32x128xi32>
    %add3A_129 = arith.addi %add3A_72, %add3A_128 : vector<32x128xi32>
    %reduce_sum3A = vector.shape_cast %scan3A_4#1 : vector<32x128xi32> to vector<1x32x128xi32>
    %reduce_sum3A_130 = arith.constant dense<0> : vector<1xi32>
    %reduce_sum3A_131 = vector.multi_reduction <add>, %reduce_sum3A, %reduce_sum3A_130 [1, 2] : vector<1x32x128xi32> to vector<1xi32>
    %reduce_sum3A_132 = vector.shape_cast %reduce_sum3A_131 : vector<1xi32> to vector<1x1x1xi32>
    %reduce_sum3A_133 = vector.extract %reduce_sum3A_132[0, 0, 0] : i32 from vector<1x1x1xi32>
    %convert_element_type3A = arith.sitofp %add3A_126 : vector<32x128xi32> to vector<32x128xf32>
    %convert_element_type3A_134 = arith.sitofp %add3A_129 : vector<32x128xi32> to vector<32x128xf32>
    %convert_element_type3A_135 = arith.sitofp %reduce_sum3A_133 : i32 to f32
    %add3A_136 = vector.broadcast %convert_element_type3A_135 : f32 to vector<32x128xf32>
    %add3A_137 = arith.addf %add3A_136, %convert_element_type3A : vector<32x128xf32>
    %sub3A_138 = arith.subf %add3A_137, %convert_element_type3A_134 : vector<32x128xf32>
    %max3A = arith.constant 1.000000e+00 : f32
    %max3A_139 = vector.broadcast %max3A : f32 to vector<32x128xf32>
    %max3A_140 = arith.maximumf %sub3A_138, %max3A_139 : vector<32x128xf32>
    %eq3A = arith.constant 0 : i32
    %eq3A_141 = vector.broadcast %eq3A : i32 to vector<32x128xi32>
    %eq3A_142 = arith.cmpi eq, %add3A_126, %eq3A_141 : vector<32x128xi32>
    %sub3A_143 = vector.broadcast %convert_element_type3A_135 : f32 to vector<32x128xf32>
    %sub3A_144 = arith.subf %sub3A_143, %convert_element_type3A_134 : vector<32x128xf32>
    %div3A = arith.divf %sub3A_144, %max3A_140 : vector<32x128xf32>
    %sub3A_145 = arith.constant 1.000000e+00 : f32
    %sub3A_146 = vector.broadcast %sub3A_145 : f32 to vector<32x128xf32>
    %sub3A_147 = arith.subf %sub3A_146, %div3A : vector<32x128xf32>
    %jit3A = arith.constant 0.000000e+00 : f32
    %broadcast_in_dim3A_148 = vector.broadcast %jit3A : f32 to vector<32x128xf32>
    %select_n3A = arith.select %eq3A_142, %broadcast_in_dim3A_148, %sub3A_147 : vector<32x128xi1>, vector<32x128xf32>
    %iota3A = tpu.iota {dimensions = array<i32: 0>} : vector<32x128xi32>
    %mul3A = arith.constant 128 : i32
    %mul3A_149 = vector.broadcast %mul3A : i32 to vector<32x128xi32>
    %mul3A_150 = arith.muli %iota3A, %mul3A_149 : vector<32x128xi32>
    %iota3A_151 = tpu.iota {dimensions = array<i32: 1>} : vector<32x128xi32>
    %add3A_152 = arith.addi %mul3A_150, %iota3A_151 : vector<32x128xi32>
    %eq3A_153 = arith.constant 4095 : i32
    %eq3A_154 = vector.broadcast %eq3A_153 : i32 to vector<32x128xi32>
    %eq3A_155 = arith.cmpi eq, %add3A_152, %eq3A_154 : vector<32x128xi32>
    %eq3A_156 = arith.constant 4094 : i32
    %eq3A_157 = vector.broadcast %eq3A_156 : i32 to vector<32x128xi32>
    %eq3A_158 = arith.cmpi eq, %add3A_152, %eq3A_157 : vector<32x128xi32>
    %jit3A_159 = arith.constant 1.500000e+00 : f32
    %jit3A_160 = arith.constant 1.000000e+00 : f32
    %broadcast_in_dim3A_161 = vector.broadcast %jit3A_159 : f32 to vector<32x128xf32>
    %broadcast_in_dim3A_162 = vector.broadcast %jit3A_160 : f32 to vector<32x128xf32>
    %select_n3A_163 = arith.select %eq3A_158, %broadcast_in_dim3A_161, %broadcast_in_dim3A_162 : vector<32x128xi1>, vector<32x128xf32>
    %jit3A_164 = arith.constant 0.000000e+00 : f32
    %broadcast_in_dim3A_165 = vector.broadcast %jit3A_164 : f32 to vector<32x128xf32>
    %select_n3A_166 = arith.select %eq3A_155, %broadcast_in_dim3A_165, %select_n3A_163 : vector<32x128xi1>, vector<32x128xf32>
    %div3A_167 = arith.constant 5.120000e+02 : f32
    %div3A_168 = vector.broadcast %div3A_167 : f32 to vector<32x128xf32>
    %div3A_169 = arith.divf %select_n3A_166, %div3A_168 : vector<32x128xf32>
    %mul3A_170 = arith.mulf %select_n3A, %div3A_169 : vector<32x128xf32>
    %reduce_sum3A_171 = vector.shape_cast %mul3A_170 : vector<32x128xf32> to vector<1x32x128xf32>
    %reduce_sum3A_172 = arith.constant dense<0.000000e+00> : vector<1xf32>
    %reduce_sum3A_173 = vector.multi_reduction <add>, %reduce_sum3A_171, %reduce_sum3A_172 [1, 2] : vector<1x32x128xf32> to vector<1xf32>
    %reduce_sum3A_174 = vector.shape_cast %reduce_sum3A_173 : vector<1xf32> to vector<1x1x1xf32>
    %reduce_sum3A_175 = vector.extract %reduce_sum3A_174[0, 0, 0] : f32 from vector<1x1x1xf32>
    %get3A = arith.constant 0 : index
    %get3A_176 = memref.load %arg1[%get3A] : memref<3xf32, #tpu.memory_space<smem>>
    %mul3A_177 = arith.mulf %get3A_176, %reduce_sum3A_175 : f32
    %add3A_178 = arith.constant 0.000000e+00 : f32
    %add3A_179 = arith.addf %add3A_178, %mul3A_177 : f32
    %broadcast_in_dim3A_180 = arith.constant 0 : i32
    %broadcast_in_dim3A_181 = vector.broadcast %broadcast_in_dim3A_180 : i32 to vector<32x128xi32>
    %scan3A_182 = arith.constant 0 : i32
    %scan3A_183 = arith.constant 64 : i32
    %scan3A_184 = arith.addi %scan3A_182, %scan3A_183 : i32
    %scan3A_185 = arith.constant 1 : i32
    %scan3A_186:2 = scf.for %scan3A_572 = %scan3A_182 to %scan3A_184 step %scan3A_185 iter_args(%scan3A_573 = %broadcast_in_dim3A_181, %scan3A_574 = %broadcast_in_dim3A_181) -> (vector<32x128xi32>, vector<32x128xi32>)  : i32 {
      %mul3A_575 = arith.constant 8 : i32
      %mul3A_576 = arith.muli %scan3A_572, %mul3A_575 : i32
      %get3A_577 = arith.constant 1 : index
      %get3A_578 = arith.index_cast %mul3A_576 : i32 to index
      %get3A_579 = arith.constant 0 : index
      %get3A_580 = arith.constant 0 : index
      %get3A_581 = vector.load %arg0[%get3A_577, %get3A_578, %get3A_579, %get3A_580] : memref<3x512x32x128xi32, #tpu.memory_space<vmem>>, vector<1x8x32x128xi32>
      %get3A_582 = vector.shape_cast %get3A_581 : vector<1x8x32x128xi32> to vector<8x32x128xi32>
      %and3A = arith.constant 16383 : i32
      %and3A_583 = vector.broadcast %and3A : i32 to vector<8x32x128xi32>
      %and3A_584 = arith.andi %get3A_582, %and3A_583 : vector<8x32x128xi32>
      %reduce_sum3A_585 = arith.constant dense<0> : vector<32x128xi32>
      %reduce_sum3A_586 = vector.multi_reduction <add>, %and3A_584, %reduce_sum3A_585 [0] : vector<8x32x128xi32> to vector<32x128xi32>
      %add3A_587 = arith.addi %scan3A_573, %reduce_sum3A_586 : vector<32x128xi32>
      %shift_right_arithmetic3A = arith.constant 14 : i32
      %shift_right_arithmetic3A_588 = vector.broadcast %shift_right_arithmetic3A : i32 to vector<8x32x128xi32>
      %shift_right_arithmetic3A_589 = arith.shrsi %get3A_582, %shift_right_arithmetic3A_588 : vector<8x32x128xi32>
      %reduce_sum3A_590 = arith.constant dense<0> : vector<32x128xi32>
      %reduce_sum3A_591 = vector.multi_reduction <add>, %shift_right_arithmetic3A_589, %reduce_sum3A_590 [0] : vector<8x32x128xi32> to vector<32x128xi32>
      %add3A_592 = arith.addi %scan3A_574, %reduce_sum3A_591 : vector<32x128xi32>
      scf.yield %add3A_587, %add3A_592 : vector<32x128xi32>, vector<32x128xi32>
    }
    %scan3A_187 = arith.constant 64 : i32
    %broadcast_in_dim3A_188 = arith.constant 0 : i32
    %broadcast_in_dim3A_189 = vector.broadcast %broadcast_in_dim3A_188 : i32 to vector<32x1xi32>
    %slice3A_190 = vector.extract_strided_slice %scan3A_186#0 {offsets = [0, 0], sizes = [32, 127], strides = [1, 1]} : vector<32x128xi32> to vector<32x127xi32>
    %concatenate3A_191 = tpu.concatenate %broadcast_in_dim3A_189, %slice3A_190 in 1 : vector<32x1xi32>, vector<32x127xi32> -> vector<32x128xi32>
    %add3A_192 = arith.addi %scan3A_186#0, %concatenate3A_191 : vector<32x128xi32>
    %broadcast_in_dim3A_193 = arith.constant 0 : i32
    %broadcast_in_dim3A_194 = vector.broadcast %broadcast_in_dim3A_193 : i32 to vector<32x1xi32>
    %slice3A_195 = vector.extract_strided_slice %scan3A_186#1 {offsets = [0, 0], sizes = [32, 127], strides = [1, 1]} : vector<32x128xi32> to vector<32x127xi32>
    %concatenate3A_196 = tpu.concatenate %broadcast_in_dim3A_194, %slice3A_195 in 1 : vector<32x1xi32>, vector<32x127xi32> -> vector<32x128xi32>
    %add3A_197 = arith.addi %scan3A_186#1, %concatenate3A_196 : vector<32x128xi32>
    %broadcast_in_dim3A_198 = arith.constant 0 : i32
    %broadcast_in_dim3A_199 = vector.broadcast %broadcast_in_dim3A_198 : i32 to vector<32x2xi32>
    %slice3A_200 = vector.extract_strided_slice %add3A_192 {offsets = [0, 0], sizes = [32, 126], strides = [1, 1]} : vector<32x128xi32> to vector<32x126xi32>
    %concatenate3A_201 = tpu.concatenate %broadcast_in_dim3A_199, %slice3A_200 in 1 : vector<32x2xi32>, vector<32x126xi32> -> vector<32x128xi32>
    %add3A_202 = arith.addi %add3A_192, %concatenate3A_201 : vector<32x128xi32>
    %broadcast_in_dim3A_203 = arith.constant 0 : i32
    %broadcast_in_dim3A_204 = vector.broadcast %broadcast_in_dim3A_203 : i32 to vector<32x2xi32>
    %slice3A_205 = vector.extract_strided_slice %add3A_197 {offsets = [0, 0], sizes = [32, 126], strides = [1, 1]} : vector<32x128xi32> to vector<32x126xi32>
    %concatenate3A_206 = tpu.concatenate %broadcast_in_dim3A_204, %slice3A_205 in 1 : vector<32x2xi32>, vector<32x126xi32> -> vector<32x128xi32>
    %add3A_207 = arith.addi %add3A_197, %concatenate3A_206 : vector<32x128xi32>
    %broadcast_in_dim3A_208 = arith.constant 0 : i32
    %broadcast_in_dim3A_209 = vector.broadcast %broadcast_in_dim3A_208 : i32 to vector<32x4xi32>
    %slice3A_210 = vector.extract_strided_slice %add3A_202 {offsets = [0, 0], sizes = [32, 124], strides = [1, 1]} : vector<32x128xi32> to vector<32x124xi32>
    %concatenate3A_211 = tpu.concatenate %broadcast_in_dim3A_209, %slice3A_210 in 1 : vector<32x4xi32>, vector<32x124xi32> -> vector<32x128xi32>
    %add3A_212 = arith.addi %add3A_202, %concatenate3A_211 : vector<32x128xi32>
    %broadcast_in_dim3A_213 = arith.constant 0 : i32
    %broadcast_in_dim3A_214 = vector.broadcast %broadcast_in_dim3A_213 : i32 to vector<32x4xi32>
    %slice3A_215 = vector.extract_strided_slice %add3A_207 {offsets = [0, 0], sizes = [32, 124], strides = [1, 1]} : vector<32x128xi32> to vector<32x124xi32>
    %concatenate3A_216 = tpu.concatenate %broadcast_in_dim3A_214, %slice3A_215 in 1 : vector<32x4xi32>, vector<32x124xi32> -> vector<32x128xi32>
    %add3A_217 = arith.addi %add3A_207, %concatenate3A_216 : vector<32x128xi32>
    %broadcast_in_dim3A_218 = arith.constant 0 : i32
    %broadcast_in_dim3A_219 = vector.broadcast %broadcast_in_dim3A_218 : i32 to vector<32x8xi32>
    %slice3A_220 = vector.extract_strided_slice %add3A_212 {offsets = [0, 0], sizes = [32, 120], strides = [1, 1]} : vector<32x128xi32> to vector<32x120xi32>
    %concatenate3A_221 = tpu.concatenate %broadcast_in_dim3A_219, %slice3A_220 in 1 : vector<32x8xi32>, vector<32x120xi32> -> vector<32x128xi32>
    %add3A_222 = arith.addi %add3A_212, %concatenate3A_221 : vector<32x128xi32>
    %broadcast_in_dim3A_223 = arith.constant 0 : i32
    %broadcast_in_dim3A_224 = vector.broadcast %broadcast_in_dim3A_223 : i32 to vector<32x8xi32>
    %slice3A_225 = vector.extract_strided_slice %add3A_217 {offsets = [0, 0], sizes = [32, 120], strides = [1, 1]} : vector<32x128xi32> to vector<32x120xi32>
    %concatenate3A_226 = tpu.concatenate %broadcast_in_dim3A_224, %slice3A_225 in 1 : vector<32x8xi32>, vector<32x120xi32> -> vector<32x128xi32>
    %add3A_227 = arith.addi %add3A_217, %concatenate3A_226 : vector<32x128xi32>
    %broadcast_in_dim3A_228 = arith.constant 0 : i32
    %broadcast_in_dim3A_229 = vector.broadcast %broadcast_in_dim3A_228 : i32 to vector<32x16xi32>
    %slice3A_230 = vector.extract_strided_slice %add3A_222 {offsets = [0, 0], sizes = [32, 112], strides = [1, 1]} : vector<32x128xi32> to vector<32x112xi32>
    %concatenate3A_231 = tpu.concatenate %broadcast_in_dim3A_229, %slice3A_230 in 1 : vector<32x16xi32>, vector<32x112xi32> -> vector<32x128xi32>
    %add3A_232 = arith.addi %add3A_222, %concatenate3A_231 : vector<32x128xi32>
    %broadcast_in_dim3A_233 = arith.constant 0 : i32
    %broadcast_in_dim3A_234 = vector.broadcast %broadcast_in_dim3A_233 : i32 to vector<32x16xi32>
    %slice3A_235 = vector.extract_strided_slice %add3A_227 {offsets = [0, 0], sizes = [32, 112], strides = [1, 1]} : vector<32x128xi32> to vector<32x112xi32>
    %concatenate3A_236 = tpu.concatenate %broadcast_in_dim3A_234, %slice3A_235 in 1 : vector<32x16xi32>, vector<32x112xi32> -> vector<32x128xi32>
    %add3A_237 = arith.addi %add3A_227, %concatenate3A_236 : vector<32x128xi32>
    %broadcast_in_dim3A_238 = arith.constant 0 : i32
    %broadcast_in_dim3A_239 = vector.broadcast %broadcast_in_dim3A_238 : i32 to vector<32x32xi32>
    %slice3A_240 = vector.extract_strided_slice %add3A_232 {offsets = [0, 0], sizes = [32, 96], strides = [1, 1]} : vector<32x128xi32> to vector<32x96xi32>
    %concatenate3A_241 = tpu.concatenate %broadcast_in_dim3A_239, %slice3A_240 in 1 : vector<32x32xi32>, vector<32x96xi32> -> vector<32x128xi32>
    %add3A_242 = arith.addi %add3A_232, %concatenate3A_241 : vector<32x128xi32>
    %broadcast_in_dim3A_243 = arith.constant 0 : i32
    %broadcast_in_dim3A_244 = vector.broadcast %broadcast_in_dim3A_243 : i32 to vector<32x32xi32>
    %slice3A_245 = vector.extract_strided_slice %add3A_237 {offsets = [0, 0], sizes = [32, 96], strides = [1, 1]} : vector<32x128xi32> to vector<32x96xi32>
    %concatenate3A_246 = tpu.concatenate %broadcast_in_dim3A_244, %slice3A_245 in 1 : vector<32x32xi32>, vector<32x96xi32> -> vector<32x128xi32>
    %add3A_247 = arith.addi %add3A_237, %concatenate3A_246 : vector<32x128xi32>
    %broadcast_in_dim3A_248 = arith.constant 0 : i32
    %broadcast_in_dim3A_249 = vector.broadcast %broadcast_in_dim3A_248 : i32 to vector<32x64xi32>
    %slice3A_250 = vector.extract_strided_slice %add3A_242 {offsets = [0, 0], sizes = [32, 64], strides = [1, 1]} : vector<32x128xi32> to vector<32x64xi32>
    %concatenate3A_251 = tpu.concatenate %broadcast_in_dim3A_249, %slice3A_250 in 1 : vector<32x64xi32>, vector<32x64xi32> -> vector<32x128xi32>
    %add3A_252 = arith.addi %add3A_242, %concatenate3A_251 : vector<32x128xi32>
    %broadcast_in_dim3A_253 = arith.constant 0 : i32
    %broadcast_in_dim3A_254 = vector.broadcast %broadcast_in_dim3A_253 : i32 to vector<32x64xi32>
    %slice3A_255 = vector.extract_strided_slice %add3A_247 {offsets = [0, 0], sizes = [32, 64], strides = [1, 1]} : vector<32x128xi32> to vector<32x64xi32>
    %concatenate3A_256 = tpu.concatenate %broadcast_in_dim3A_254, %slice3A_255 in 1 : vector<32x64xi32>, vector<32x64xi32> -> vector<32x128xi32>
    %add3A_257 = arith.addi %add3A_247, %concatenate3A_256 : vector<32x128xi32>
    %slice3A_258 = vector.extract_strided_slice %add3A_252 {offsets = [0, 127], sizes = [32, 1], strides = [1, 1]} : vector<32x128xi32> to vector<32x1xi32>
    %slice3A_259 = vector.extract_strided_slice %add3A_257 {offsets = [0, 127], sizes = [32, 1], strides = [1, 1]} : vector<32x128xi32> to vector<32x1xi32>
    %broadcast_in_dim3A_260 = arith.constant 0 : i32
    %broadcast_in_dim3A_261 = vector.broadcast %broadcast_in_dim3A_260 : i32 to vector<1x1xi32>
    %slice3A_262 = vector.extract_strided_slice %slice3A_258 {offsets = [0, 0], sizes = [31, 1], strides = [1, 1]} : vector<32x1xi32> to vector<31x1xi32>
    %concatenate3A_263 = tpu.concatenate %broadcast_in_dim3A_261, %slice3A_262 in 0 : vector<1x1xi32>, vector<31x1xi32> -> vector<32x1xi32>
    %add3A_264 = arith.addi %slice3A_258, %concatenate3A_263 : vector<32x1xi32>
    %broadcast_in_dim3A_265 = arith.constant 0 : i32
    %broadcast_in_dim3A_266 = vector.broadcast %broadcast_in_dim3A_265 : i32 to vector<1x1xi32>
    %slice3A_267 = vector.extract_strided_slice %slice3A_259 {offsets = [0, 0], sizes = [31, 1], strides = [1, 1]} : vector<32x1xi32> to vector<31x1xi32>
    %concatenate3A_268 = tpu.concatenate %broadcast_in_dim3A_266, %slice3A_267 in 0 : vector<1x1xi32>, vector<31x1xi32> -> vector<32x1xi32>
    %add3A_269 = arith.addi %slice3A_259, %concatenate3A_268 : vector<32x1xi32>
    %broadcast_in_dim3A_270 = arith.constant 0 : i32
    %broadcast_in_dim3A_271 = vector.broadcast %broadcast_in_dim3A_270 : i32 to vector<2x1xi32>
    %slice3A_272 = vector.extract_strided_slice %add3A_264 {offsets = [0, 0], sizes = [30, 1], strides = [1, 1]} : vector<32x1xi32> to vector<30x1xi32>
    %concatenate3A_273 = tpu.concatenate %broadcast_in_dim3A_271, %slice3A_272 in 0 : vector<2x1xi32>, vector<30x1xi32> -> vector<32x1xi32>
    %add3A_274 = arith.addi %add3A_264, %concatenate3A_273 : vector<32x1xi32>
    %broadcast_in_dim3A_275 = arith.constant 0 : i32
    %broadcast_in_dim3A_276 = vector.broadcast %broadcast_in_dim3A_275 : i32 to vector<2x1xi32>
    %slice3A_277 = vector.extract_strided_slice %add3A_269 {offsets = [0, 0], sizes = [30, 1], strides = [1, 1]} : vector<32x1xi32> to vector<30x1xi32>
    %concatenate3A_278 = tpu.concatenate %broadcast_in_dim3A_276, %slice3A_277 in 0 : vector<2x1xi32>, vector<30x1xi32> -> vector<32x1xi32>
    %add3A_279 = arith.addi %add3A_269, %concatenate3A_278 : vector<32x1xi32>
    %broadcast_in_dim3A_280 = arith.constant 0 : i32
    %broadcast_in_dim3A_281 = vector.broadcast %broadcast_in_dim3A_280 : i32 to vector<4x1xi32>
    %slice3A_282 = vector.extract_strided_slice %add3A_274 {offsets = [0, 0], sizes = [28, 1], strides = [1, 1]} : vector<32x1xi32> to vector<28x1xi32>
    %concatenate3A_283 = tpu.concatenate %broadcast_in_dim3A_281, %slice3A_282 in 0 : vector<4x1xi32>, vector<28x1xi32> -> vector<32x1xi32>
    %add3A_284 = arith.addi %add3A_274, %concatenate3A_283 : vector<32x1xi32>
    %broadcast_in_dim3A_285 = arith.constant 0 : i32
    %broadcast_in_dim3A_286 = vector.broadcast %broadcast_in_dim3A_285 : i32 to vector<4x1xi32>
    %slice3A_287 = vector.extract_strided_slice %add3A_279 {offsets = [0, 0], sizes = [28, 1], strides = [1, 1]} : vector<32x1xi32> to vector<28x1xi32>
    %concatenate3A_288 = tpu.concatenate %broadcast_in_dim3A_286, %slice3A_287 in 0 : vector<4x1xi32>, vector<28x1xi32> -> vector<32x1xi32>
    %add3A_289 = arith.addi %add3A_279, %concatenate3A_288 : vector<32x1xi32>
    %broadcast_in_dim3A_290 = arith.constant 0 : i32
    %broadcast_in_dim3A_291 = vector.broadcast %broadcast_in_dim3A_290 : i32 to vector<8x1xi32>
    %slice3A_292 = vector.extract_strided_slice %add3A_284 {offsets = [0, 0], sizes = [24, 1], strides = [1, 1]} : vector<32x1xi32> to vector<24x1xi32>
    %concatenate3A_293 = tpu.concatenate %broadcast_in_dim3A_291, %slice3A_292 in 0 : vector<8x1xi32>, vector<24x1xi32> -> vector<32x1xi32>
    %add3A_294 = arith.addi %add3A_284, %concatenate3A_293 : vector<32x1xi32>
    %broadcast_in_dim3A_295 = arith.constant 0 : i32
    %broadcast_in_dim3A_296 = vector.broadcast %broadcast_in_dim3A_295 : i32 to vector<8x1xi32>
    %slice3A_297 = vector.extract_strided_slice %add3A_289 {offsets = [0, 0], sizes = [24, 1], strides = [1, 1]} : vector<32x1xi32> to vector<24x1xi32>
    %concatenate3A_298 = tpu.concatenate %broadcast_in_dim3A_296, %slice3A_297 in 0 : vector<8x1xi32>, vector<24x1xi32> -> vector<32x1xi32>
    %add3A_299 = arith.addi %add3A_289, %concatenate3A_298 : vector<32x1xi32>
    %broadcast_in_dim3A_300 = arith.constant 0 : i32
    %broadcast_in_dim3A_301 = vector.broadcast %broadcast_in_dim3A_300 : i32 to vector<16x1xi32>
    %slice3A_302 = vector.extract_strided_slice %add3A_294 {offsets = [0, 0], sizes = [16, 1], strides = [1, 1]} : vector<32x1xi32> to vector<16x1xi32>
    %concatenate3A_303 = tpu.concatenate %broadcast_in_dim3A_301, %slice3A_302 in 0 : vector<16x1xi32>, vector<16x1xi32> -> vector<32x1xi32>
    %add3A_304 = arith.addi %add3A_294, %concatenate3A_303 : vector<32x1xi32>
    %broadcast_in_dim3A_305 = arith.constant 0 : i32
    %broadcast_in_dim3A_306 = vector.broadcast %broadcast_in_dim3A_305 : i32 to vector<16x1xi32>
    %slice3A_307 = vector.extract_strided_slice %add3A_299 {offsets = [0, 0], sizes = [16, 1], strides = [1, 1]} : vector<32x1xi32> to vector<16x1xi32>
    %concatenate3A_308 = tpu.concatenate %broadcast_in_dim3A_306, %slice3A_307 in 0 : vector<16x1xi32>, vector<16x1xi32> -> vector<32x1xi32>
    %add3A_309 = arith.addi %add3A_299, %concatenate3A_308 : vector<32x1xi32>
    %sub3A_310 = arith.subi %add3A_304, %slice3A_258 : vector<32x1xi32>
    %add3A_311 = vector.broadcast %sub3A_310 : vector<32x1xi32> to vector<32x128xi32>
    %add3A_312 = arith.addi %add3A_252, %add3A_311 : vector<32x128xi32>
    %sub3A_313 = arith.subi %add3A_309, %slice3A_259 : vector<32x1xi32>
    %add3A_314 = vector.broadcast %sub3A_313 : vector<32x1xi32> to vector<32x128xi32>
    %add3A_315 = arith.addi %add3A_257, %add3A_314 : vector<32x128xi32>
    %reduce_sum3A_316 = vector.shape_cast %scan3A_186#1 : vector<32x128xi32> to vector<1x32x128xi32>
    %reduce_sum3A_317 = arith.constant dense<0> : vector<1xi32>
    %reduce_sum3A_318 = vector.multi_reduction <add>, %reduce_sum3A_316, %reduce_sum3A_317 [1, 2] : vector<1x32x128xi32> to vector<1xi32>
    %reduce_sum3A_319 = vector.shape_cast %reduce_sum3A_318 : vector<1xi32> to vector<1x1x1xi32>
    %reduce_sum3A_320 = vector.extract %reduce_sum3A_319[0, 0, 0] : i32 from vector<1x1x1xi32>
    %convert_element_type3A_321 = arith.sitofp %add3A_312 : vector<32x128xi32> to vector<32x128xf32>
    %convert_element_type3A_322 = arith.sitofp %add3A_315 : vector<32x128xi32> to vector<32x128xf32>
    %convert_element_type3A_323 = arith.sitofp %reduce_sum3A_320 : i32 to f32
    %add3A_324 = vector.broadcast %convert_element_type3A_323 : f32 to vector<32x128xf32>
    %add3A_325 = arith.addf %add3A_324, %convert_element_type3A_321 : vector<32x128xf32>
    %sub3A_326 = arith.subf %add3A_325, %convert_element_type3A_322 : vector<32x128xf32>
    %max3A_327 = arith.constant 1.000000e+00 : f32
    %max3A_328 = vector.broadcast %max3A_327 : f32 to vector<32x128xf32>
    %max3A_329 = arith.maximumf %sub3A_326, %max3A_328 : vector<32x128xf32>
    %eq3A_330 = arith.constant 0 : i32
    %eq3A_331 = vector.broadcast %eq3A_330 : i32 to vector<32x128xi32>
    %eq3A_332 = arith.cmpi eq, %add3A_312, %eq3A_331 : vector<32x128xi32>
    %sub3A_333 = vector.broadcast %convert_element_type3A_323 : f32 to vector<32x128xf32>
    %sub3A_334 = arith.subf %sub3A_333, %convert_element_type3A_322 : vector<32x128xf32>
    %div3A_335 = arith.divf %sub3A_334, %max3A_329 : vector<32x128xf32>
    %sub3A_336 = arith.constant 1.000000e+00 : f32
    %sub3A_337 = vector.broadcast %sub3A_336 : f32 to vector<32x128xf32>
    %sub3A_338 = arith.subf %sub3A_337, %div3A_335 : vector<32x128xf32>
    %jit3A_339 = arith.constant 0.000000e+00 : f32
    %broadcast_in_dim3A_340 = vector.broadcast %jit3A_339 : f32 to vector<32x128xf32>
    %select_n3A_341 = arith.select %eq3A_332, %broadcast_in_dim3A_340, %sub3A_338 : vector<32x128xi1>, vector<32x128xf32>
    %iota3A_342 = tpu.iota {dimensions = array<i32: 0>} : vector<32x128xi32>
    %mul3A_343 = arith.constant 128 : i32
    %mul3A_344 = vector.broadcast %mul3A_343 : i32 to vector<32x128xi32>
    %mul3A_345 = arith.muli %iota3A_342, %mul3A_344 : vector<32x128xi32>
    %iota3A_346 = tpu.iota {dimensions = array<i32: 1>} : vector<32x128xi32>
    %add3A_347 = arith.addi %mul3A_345, %iota3A_346 : vector<32x128xi32>
    %eq3A_348 = arith.constant 4095 : i32
    %eq3A_349 = vector.broadcast %eq3A_348 : i32 to vector<32x128xi32>
    %eq3A_350 = arith.cmpi eq, %add3A_347, %eq3A_349 : vector<32x128xi32>
    %eq3A_351 = arith.constant 4094 : i32
    %eq3A_352 = vector.broadcast %eq3A_351 : i32 to vector<32x128xi32>
    %eq3A_353 = arith.cmpi eq, %add3A_347, %eq3A_352 : vector<32x128xi32>
    %jit3A_354 = arith.constant 1.500000e+00 : f32
    %jit3A_355 = arith.constant 1.000000e+00 : f32
    %broadcast_in_dim3A_356 = vector.broadcast %jit3A_354 : f32 to vector<32x128xf32>
    %broadcast_in_dim3A_357 = vector.broadcast %jit3A_355 : f32 to vector<32x128xf32>
    %select_n3A_358 = arith.select %eq3A_353, %broadcast_in_dim3A_356, %broadcast_in_dim3A_357 : vector<32x128xi1>, vector<32x128xf32>
    %jit3A_359 = arith.constant 0.000000e+00 : f32
    %broadcast_in_dim3A_360 = vector.broadcast %jit3A_359 : f32 to vector<32x128xf32>
    %select_n3A_361 = arith.select %eq3A_350, %broadcast_in_dim3A_360, %select_n3A_358 : vector<32x128xi1>, vector<32x128xf32>
    %div3A_362 = arith.constant 5.120000e+02 : f32
    %div3A_363 = vector.broadcast %div3A_362 : f32 to vector<32x128xf32>
    %div3A_364 = arith.divf %select_n3A_361, %div3A_363 : vector<32x128xf32>
    %mul3A_365 = arith.mulf %select_n3A_341, %div3A_364 : vector<32x128xf32>
    %reduce_sum3A_366 = vector.shape_cast %mul3A_365 : vector<32x128xf32> to vector<1x32x128xf32>
    %reduce_sum3A_367 = arith.constant dense<0.000000e+00> : vector<1xf32>
    %reduce_sum3A_368 = vector.multi_reduction <add>, %reduce_sum3A_366, %reduce_sum3A_367 [1, 2] : vector<1x32x128xf32> to vector<1xf32>
    %reduce_sum3A_369 = vector.shape_cast %reduce_sum3A_368 : vector<1xf32> to vector<1x1x1xf32>
    %reduce_sum3A_370 = vector.extract %reduce_sum3A_369[0, 0, 0] : f32 from vector<1x1x1xf32>
    %get3A_371 = arith.constant 1 : index
    %get3A_372 = memref.load %arg1[%get3A_371] : memref<3xf32, #tpu.memory_space<smem>>
    %mul3A_373 = arith.mulf %get3A_372, %reduce_sum3A_370 : f32
    %add3A_374 = arith.addf %add3A_179, %mul3A_373 : f32
    %broadcast_in_dim3A_375 = arith.constant 0 : i32
    %broadcast_in_dim3A_376 = vector.broadcast %broadcast_in_dim3A_375 : i32 to vector<32x128xi32>
    %scan3A_377 = arith.constant 0 : i32
    %scan3A_378 = arith.constant 64 : i32
    %scan3A_379 = arith.addi %scan3A_377, %scan3A_378 : i32
    %scan3A_380 = arith.constant 1 : i32
    %scan3A_381:2 = scf.for %scan3A_572 = %scan3A_377 to %scan3A_379 step %scan3A_380 iter_args(%scan3A_573 = %broadcast_in_dim3A_376, %scan3A_574 = %broadcast_in_dim3A_376) -> (vector<32x128xi32>, vector<32x128xi32>)  : i32 {
      %mul3A_575 = arith.constant 8 : i32
      %mul3A_576 = arith.muli %scan3A_572, %mul3A_575 : i32
      %get3A_577 = arith.constant 2 : index
      %get3A_578 = arith.index_cast %mul3A_576 : i32 to index
      %get3A_579 = arith.constant 0 : index
      %get3A_580 = arith.constant 0 : index
      %get3A_581 = vector.load %arg0[%get3A_577, %get3A_578, %get3A_579, %get3A_580] : memref<3x512x32x128xi32, #tpu.memory_space<vmem>>, vector<1x8x32x128xi32>
      %get3A_582 = vector.shape_cast %get3A_581 : vector<1x8x32x128xi32> to vector<8x32x128xi32>
      %and3A = arith.constant 16383 : i32
      %and3A_583 = vector.broadcast %and3A : i32 to vector<8x32x128xi32>
      %and3A_584 = arith.andi %get3A_582, %and3A_583 : vector<8x32x128xi32>
      %reduce_sum3A_585 = arith.constant dense<0> : vector<32x128xi32>
      %reduce_sum3A_586 = vector.multi_reduction <add>, %and3A_584, %reduce_sum3A_585 [0] : vector<8x32x128xi32> to vector<32x128xi32>
      %add3A_587 = arith.addi %scan3A_573, %reduce_sum3A_586 : vector<32x128xi32>
      %shift_right_arithmetic3A = arith.constant 14 : i32
      %shift_right_arithmetic3A_588 = vector.broadcast %shift_right_arithmetic3A : i32 to vector<8x32x128xi32>
      %shift_right_arithmetic3A_589 = arith.shrsi %get3A_582, %shift_right_arithmetic3A_588 : vector<8x32x128xi32>
      %reduce_sum3A_590 = arith.constant dense<0> : vector<32x128xi32>
      %reduce_sum3A_591 = vector.multi_reduction <add>, %shift_right_arithmetic3A_589, %reduce_sum3A_590 [0] : vector<8x32x128xi32> to vector<32x128xi32>
      %add3A_592 = arith.addi %scan3A_574, %reduce_sum3A_591 : vector<32x128xi32>
      scf.yield %add3A_587, %add3A_592 : vector<32x128xi32>, vector<32x128xi32>
    }
    %scan3A_382 = arith.constant 64 : i32
    %broadcast_in_dim3A_383 = arith.constant 0 : i32
    %broadcast_in_dim3A_384 = vector.broadcast %broadcast_in_dim3A_383 : i32 to vector<32x1xi32>
    %slice3A_385 = vector.extract_strided_slice %scan3A_381#0 {offsets = [0, 0], sizes = [32, 127], strides = [1, 1]} : vector<32x128xi32> to vector<32x127xi32>
    %concatenate3A_386 = tpu.concatenate %broadcast_in_dim3A_384, %slice3A_385 in 1 : vector<32x1xi32>, vector<32x127xi32> -> vector<32x128xi32>
    %add3A_387 = arith.addi %scan3A_381#0, %concatenate3A_386 : vector<32x128xi32>
    %broadcast_in_dim3A_388 = arith.constant 0 : i32
    %broadcast_in_dim3A_389 = vector.broadcast %broadcast_in_dim3A_388 : i32 to vector<32x1xi32>
    %slice3A_390 = vector.extract_strided_slice %scan3A_381#1 {offsets = [0, 0], sizes = [32, 127], strides = [1, 1]} : vector<32x128xi32> to vector<32x127xi32>
    %concatenate3A_391 = tpu.concatenate %broadcast_in_dim3A_389, %slice3A_390 in 1 : vector<32x1xi32>, vector<32x127xi32> -> vector<32x128xi32>
    %add3A_392 = arith.addi %scan3A_381#1, %concatenate3A_391 : vector<32x128xi32>
    %broadcast_in_dim3A_393 = arith.constant 0 : i32
    %broadcast_in_dim3A_394 = vector.broadcast %broadcast_in_dim3A_393 : i32 to vector<32x2xi32>
    %slice3A_395 = vector.extract_strided_slice %add3A_387 {offsets = [0, 0], sizes = [32, 126], strides = [1, 1]} : vector<32x128xi32> to vector<32x126xi32>
    %concatenate3A_396 = tpu.concatenate %broadcast_in_dim3A_394, %slice3A_395 in 1 : vector<32x2xi32>, vector<32x126xi32> -> vector<32x128xi32>
    %add3A_397 = arith.addi %add3A_387, %concatenate3A_396 : vector<32x128xi32>
    %broadcast_in_dim3A_398 = arith.constant 0 : i32
    %broadcast_in_dim3A_399 = vector.broadcast %broadcast_in_dim3A_398 : i32 to vector<32x2xi32>
    %slice3A_400 = vector.extract_strided_slice %add3A_392 {offsets = [0, 0], sizes = [32, 126], strides = [1, 1]} : vector<32x128xi32> to vector<32x126xi32>
    %concatenate3A_401 = tpu.concatenate %broadcast_in_dim3A_399, %slice3A_400 in 1 : vector<32x2xi32>, vector<32x126xi32> -> vector<32x128xi32>
    %add3A_402 = arith.addi %add3A_392, %concatenate3A_401 : vector<32x128xi32>
    %broadcast_in_dim3A_403 = arith.constant 0 : i32
    %broadcast_in_dim3A_404 = vector.broadcast %broadcast_in_dim3A_403 : i32 to vector<32x4xi32>
    %slice3A_405 = vector.extract_strided_slice %add3A_397 {offsets = [0, 0], sizes = [32, 124], strides = [1, 1]} : vector<32x128xi32> to vector<32x124xi32>
    %concatenate3A_406 = tpu.concatenate %broadcast_in_dim3A_404, %slice3A_405 in 1 : vector<32x4xi32>, vector<32x124xi32> -> vector<32x128xi32>
    %add3A_407 = arith.addi %add3A_397, %concatenate3A_406 : vector<32x128xi32>
    %broadcast_in_dim3A_408 = arith.constant 0 : i32
    %broadcast_in_dim3A_409 = vector.broadcast %broadcast_in_dim3A_408 : i32 to vector<32x4xi32>
    %slice3A_410 = vector.extract_strided_slice %add3A_402 {offsets = [0, 0], sizes = [32, 124], strides = [1, 1]} : vector<32x128xi32> to vector<32x124xi32>
    %concatenate3A_411 = tpu.concatenate %broadcast_in_dim3A_409, %slice3A_410 in 1 : vector<32x4xi32>, vector<32x124xi32> -> vector<32x128xi32>
    %add3A_412 = arith.addi %add3A_402, %concatenate3A_411 : vector<32x128xi32>
    %broadcast_in_dim3A_413 = arith.constant 0 : i32
    %broadcast_in_dim3A_414 = vector.broadcast %broadcast_in_dim3A_413 : i32 to vector<32x8xi32>
    %slice3A_415 = vector.extract_strided_slice %add3A_407 {offsets = [0, 0], sizes = [32, 120], strides = [1, 1]} : vector<32x128xi32> to vector<32x120xi32>
    %concatenate3A_416 = tpu.concatenate %broadcast_in_dim3A_414, %slice3A_415 in 1 : vector<32x8xi32>, vector<32x120xi32> -> vector<32x128xi32>
    %add3A_417 = arith.addi %add3A_407, %concatenate3A_416 : vector<32x128xi32>
    %broadcast_in_dim3A_418 = arith.constant 0 : i32
    %broadcast_in_dim3A_419 = vector.broadcast %broadcast_in_dim3A_418 : i32 to vector<32x8xi32>
    %slice3A_420 = vector.extract_strided_slice %add3A_412 {offsets = [0, 0], sizes = [32, 120], strides = [1, 1]} : vector<32x128xi32> to vector<32x120xi32>
    %concatenate3A_421 = tpu.concatenate %broadcast_in_dim3A_419, %slice3A_420 in 1 : vector<32x8xi32>, vector<32x120xi32> -> vector<32x128xi32>
    %add3A_422 = arith.addi %add3A_412, %concatenate3A_421 : vector<32x128xi32>
    %broadcast_in_dim3A_423 = arith.constant 0 : i32
    %broadcast_in_dim3A_424 = vector.broadcast %broadcast_in_dim3A_423 : i32 to vector<32x16xi32>
    %slice3A_425 = vector.extract_strided_slice %add3A_417 {offsets = [0, 0], sizes = [32, 112], strides = [1, 1]} : vector<32x128xi32> to vector<32x112xi32>
    %concatenate3A_426 = tpu.concatenate %broadcast_in_dim3A_424, %slice3A_425 in 1 : vector<32x16xi32>, vector<32x112xi32> -> vector<32x128xi32>
    %add3A_427 = arith.addi %add3A_417, %concatenate3A_426 : vector<32x128xi32>
    %broadcast_in_dim3A_428 = arith.constant 0 : i32
    %broadcast_in_dim3A_429 = vector.broadcast %broadcast_in_dim3A_428 : i32 to vector<32x16xi32>
    %slice3A_430 = vector.extract_strided_slice %add3A_422 {offsets = [0, 0], sizes = [32, 112], strides = [1, 1]} : vector<32x128xi32> to vector<32x112xi32>
    %concatenate3A_431 = tpu.concatenate %broadcast_in_dim3A_429, %slice3A_430 in 1 : vector<32x16xi32>, vector<32x112xi32> -> vector<32x128xi32>
    %add3A_432 = arith.addi %add3A_422, %concatenate3A_431 : vector<32x128xi32>
    %broadcast_in_dim3A_433 = arith.constant 0 : i32
    %broadcast_in_dim3A_434 = vector.broadcast %broadcast_in_dim3A_433 : i32 to vector<32x32xi32>
    %slice3A_435 = vector.extract_strided_slice %add3A_427 {offsets = [0, 0], sizes = [32, 96], strides = [1, 1]} : vector<32x128xi32> to vector<32x96xi32>
    %concatenate3A_436 = tpu.concatenate %broadcast_in_dim3A_434, %slice3A_435 in 1 : vector<32x32xi32>, vector<32x96xi32> -> vector<32x128xi32>
    %add3A_437 = arith.addi %add3A_427, %concatenate3A_436 : vector<32x128xi32>
    %broadcast_in_dim3A_438 = arith.constant 0 : i32
    %broadcast_in_dim3A_439 = vector.broadcast %broadcast_in_dim3A_438 : i32 to vector<32x32xi32>
    %slice3A_440 = vector.extract_strided_slice %add3A_432 {offsets = [0, 0], sizes = [32, 96], strides = [1, 1]} : vector<32x128xi32> to vector<32x96xi32>
    %concatenate3A_441 = tpu.concatenate %broadcast_in_dim3A_439, %slice3A_440 in 1 : vector<32x32xi32>, vector<32x96xi32> -> vector<32x128xi32>
    %add3A_442 = arith.addi %add3A_432, %concatenate3A_441 : vector<32x128xi32>
    %broadcast_in_dim3A_443 = arith.constant 0 : i32
    %broadcast_in_dim3A_444 = vector.broadcast %broadcast_in_dim3A_443 : i32 to vector<32x64xi32>
    %slice3A_445 = vector.extract_strided_slice %add3A_437 {offsets = [0, 0], sizes = [32, 64], strides = [1, 1]} : vector<32x128xi32> to vector<32x64xi32>
    %concatenate3A_446 = tpu.concatenate %broadcast_in_dim3A_444, %slice3A_445 in 1 : vector<32x64xi32>, vector<32x64xi32> -> vector<32x128xi32>
    %add3A_447 = arith.addi %add3A_437, %concatenate3A_446 : vector<32x128xi32>
    %broadcast_in_dim3A_448 = arith.constant 0 : i32
    %broadcast_in_dim3A_449 = vector.broadcast %broadcast_in_dim3A_448 : i32 to vector<32x64xi32>
    %slice3A_450 = vector.extract_strided_slice %add3A_442 {offsets = [0, 0], sizes = [32, 64], strides = [1, 1]} : vector<32x128xi32> to vector<32x64xi32>
    %concatenate3A_451 = tpu.concatenate %broadcast_in_dim3A_449, %slice3A_450 in 1 : vector<32x64xi32>, vector<32x64xi32> -> vector<32x128xi32>
    %add3A_452 = arith.addi %add3A_442, %concatenate3A_451 : vector<32x128xi32>
    %slice3A_453 = vector.extract_strided_slice %add3A_447 {offsets = [0, 127], sizes = [32, 1], strides = [1, 1]} : vector<32x128xi32> to vector<32x1xi32>
    %slice3A_454 = vector.extract_strided_slice %add3A_452 {offsets = [0, 127], sizes = [32, 1], strides = [1, 1]} : vector<32x128xi32> to vector<32x1xi32>
    %broadcast_in_dim3A_455 = arith.constant 0 : i32
    %broadcast_in_dim3A_456 = vector.broadcast %broadcast_in_dim3A_455 : i32 to vector<1x1xi32>
    %slice3A_457 = vector.extract_strided_slice %slice3A_453 {offsets = [0, 0], sizes = [31, 1], strides = [1, 1]} : vector<32x1xi32> to vector<31x1xi32>
    %concatenate3A_458 = tpu.concatenate %broadcast_in_dim3A_456, %slice3A_457 in 0 : vector<1x1xi32>, vector<31x1xi32> -> vector<32x1xi32>
    %add3A_459 = arith.addi %slice3A_453, %concatenate3A_458 : vector<32x1xi32>
    %broadcast_in_dim3A_460 = arith.constant 0 : i32
    %broadcast_in_dim3A_461 = vector.broadcast %broadcast_in_dim3A_460 : i32 to vector<1x1xi32>
    %slice3A_462 = vector.extract_strided_slice %slice3A_454 {offsets = [0, 0], sizes = [31, 1], strides = [1, 1]} : vector<32x1xi32> to vector<31x1xi32>
    %concatenate3A_463 = tpu.concatenate %broadcast_in_dim3A_461, %slice3A_462 in 0 : vector<1x1xi32>, vector<31x1xi32> -> vector<32x1xi32>
    %add3A_464 = arith.addi %slice3A_454, %concatenate3A_463 : vector<32x1xi32>
    %broadcast_in_dim3A_465 = arith.constant 0 : i32
    %broadcast_in_dim3A_466 = vector.broadcast %broadcast_in_dim3A_465 : i32 to vector<2x1xi32>
    %slice3A_467 = vector.extract_strided_slice %add3A_459 {offsets = [0, 0], sizes = [30, 1], strides = [1, 1]} : vector<32x1xi32> to vector<30x1xi32>
    %concatenate3A_468 = tpu.concatenate %broadcast_in_dim3A_466, %slice3A_467 in 0 : vector<2x1xi32>, vector<30x1xi32> -> vector<32x1xi32>
    %add3A_469 = arith.addi %add3A_459, %concatenate3A_468 : vector<32x1xi32>
    %broadcast_in_dim3A_470 = arith.constant 0 : i32
    %broadcast_in_dim3A_471 = vector.broadcast %broadcast_in_dim3A_470 : i32 to vector<2x1xi32>
    %slice3A_472 = vector.extract_strided_slice %add3A_464 {offsets = [0, 0], sizes = [30, 1], strides = [1, 1]} : vector<32x1xi32> to vector<30x1xi32>
    %concatenate3A_473 = tpu.concatenate %broadcast_in_dim3A_471, %slice3A_472 in 0 : vector<2x1xi32>, vector<30x1xi32> -> vector<32x1xi32>
    %add3A_474 = arith.addi %add3A_464, %concatenate3A_473 : vector<32x1xi32>
    %broadcast_in_dim3A_475 = arith.constant 0 : i32
    %broadcast_in_dim3A_476 = vector.broadcast %broadcast_in_dim3A_475 : i32 to vector<4x1xi32>
    %slice3A_477 = vector.extract_strided_slice %add3A_469 {offsets = [0, 0], sizes = [28, 1], strides = [1, 1]} : vector<32x1xi32> to vector<28x1xi32>
    %concatenate3A_478 = tpu.concatenate %broadcast_in_dim3A_476, %slice3A_477 in 0 : vector<4x1xi32>, vector<28x1xi32> -> vector<32x1xi32>
    %add3A_479 = arith.addi %add3A_469, %concatenate3A_478 : vector<32x1xi32>
    %broadcast_in_dim3A_480 = arith.constant 0 : i32
    %broadcast_in_dim3A_481 = vector.broadcast %broadcast_in_dim3A_480 : i32 to vector<4x1xi32>
    %slice3A_482 = vector.extract_strided_slice %add3A_474 {offsets = [0, 0], sizes = [28, 1], strides = [1, 1]} : vector<32x1xi32> to vector<28x1xi32>
    %concatenate3A_483 = tpu.concatenate %broadcast_in_dim3A_481, %slice3A_482 in 0 : vector<4x1xi32>, vector<28x1xi32> -> vector<32x1xi32>
    %add3A_484 = arith.addi %add3A_474, %concatenate3A_483 : vector<32x1xi32>
    %broadcast_in_dim3A_485 = arith.constant 0 : i32
    %broadcast_in_dim3A_486 = vector.broadcast %broadcast_in_dim3A_485 : i32 to vector<8x1xi32>
    %slice3A_487 = vector.extract_strided_slice %add3A_479 {offsets = [0, 0], sizes = [24, 1], strides = [1, 1]} : vector<32x1xi32> to vector<24x1xi32>
    %concatenate3A_488 = tpu.concatenate %broadcast_in_dim3A_486, %slice3A_487 in 0 : vector<8x1xi32>, vector<24x1xi32> -> vector<32x1xi32>
    %add3A_489 = arith.addi %add3A_479, %concatenate3A_488 : vector<32x1xi32>
    %broadcast_in_dim3A_490 = arith.constant 0 : i32
    %broadcast_in_dim3A_491 = vector.broadcast %broadcast_in_dim3A_490 : i32 to vector<8x1xi32>
    %slice3A_492 = vector.extract_strided_slice %add3A_484 {offsets = [0, 0], sizes = [24, 1], strides = [1, 1]} : vector<32x1xi32> to vector<24x1xi32>
    %concatenate3A_493 = tpu.concatenate %broadcast_in_dim3A_491, %slice3A_492 in 0 : vector<8x1xi32>, vector<24x1xi32> -> vector<32x1xi32>
    %add3A_494 = arith.addi %add3A_484, %concatenate3A_493 : vector<32x1xi32>
    %broadcast_in_dim3A_495 = arith.constant 0 : i32
    %broadcast_in_dim3A_496 = vector.broadcast %broadcast_in_dim3A_495 : i32 to vector<16x1xi32>
    %slice3A_497 = vector.extract_strided_slice %add3A_489 {offsets = [0, 0], sizes = [16, 1], strides = [1, 1]} : vector<32x1xi32> to vector<16x1xi32>
    %concatenate3A_498 = tpu.concatenate %broadcast_in_dim3A_496, %slice3A_497 in 0 : vector<16x1xi32>, vector<16x1xi32> -> vector<32x1xi32>
    %add3A_499 = arith.addi %add3A_489, %concatenate3A_498 : vector<32x1xi32>
    %broadcast_in_dim3A_500 = arith.constant 0 : i32
    %broadcast_in_dim3A_501 = vector.broadcast %broadcast_in_dim3A_500 : i32 to vector<16x1xi32>
    %slice3A_502 = vector.extract_strided_slice %add3A_494 {offsets = [0, 0], sizes = [16, 1], strides = [1, 1]} : vector<32x1xi32> to vector<16x1xi32>
    %concatenate3A_503 = tpu.concatenate %broadcast_in_dim3A_501, %slice3A_502 in 0 : vector<16x1xi32>, vector<16x1xi32> -> vector<32x1xi32>
    %add3A_504 = arith.addi %add3A_494, %concatenate3A_503 : vector<32x1xi32>
    %sub3A_505 = arith.subi %add3A_499, %slice3A_453 : vector<32x1xi32>
    %add3A_506 = vector.broadcast %sub3A_505 : vector<32x1xi32> to vector<32x128xi32>
    %add3A_507 = arith.addi %add3A_447, %add3A_506 : vector<32x128xi32>
    %sub3A_508 = arith.subi %add3A_504, %slice3A_454 : vector<32x1xi32>
    %add3A_509 = vector.broadcast %sub3A_508 : vector<32x1xi32> to vector<32x128xi32>
    %add3A_510 = arith.addi %add3A_452, %add3A_509 : vector<32x128xi32>
    %reduce_sum3A_511 = vector.shape_cast %scan3A_381#1 : vector<32x128xi32> to vector<1x32x128xi32>
    %reduce_sum3A_512 = arith.constant dense<0> : vector<1xi32>
    %reduce_sum3A_513 = vector.multi_reduction <add>, %reduce_sum3A_511, %reduce_sum3A_512 [1, 2] : vector<1x32x128xi32> to vector<1xi32>
    %reduce_sum3A_514 = vector.shape_cast %reduce_sum3A_513 : vector<1xi32> to vector<1x1x1xi32>
    %reduce_sum3A_515 = vector.extract %reduce_sum3A_514[0, 0, 0] : i32 from vector<1x1x1xi32>
    %convert_element_type3A_516 = arith.sitofp %add3A_507 : vector<32x128xi32> to vector<32x128xf32>
    %convert_element_type3A_517 = arith.sitofp %add3A_510 : vector<32x128xi32> to vector<32x128xf32>
    %convert_element_type3A_518 = arith.sitofp %reduce_sum3A_515 : i32 to f32
    %add3A_519 = vector.broadcast %convert_element_type3A_518 : f32 to vector<32x128xf32>
    %add3A_520 = arith.addf %add3A_519, %convert_element_type3A_516 : vector<32x128xf32>
    %sub3A_521 = arith.subf %add3A_520, %convert_element_type3A_517 : vector<32x128xf32>
    %max3A_522 = arith.constant 1.000000e+00 : f32
    %max3A_523 = vector.broadcast %max3A_522 : f32 to vector<32x128xf32>
    %max3A_524 = arith.maximumf %sub3A_521, %max3A_523 : vector<32x128xf32>
    %eq3A_525 = arith.constant 0 : i32
    %eq3A_526 = vector.broadcast %eq3A_525 : i32 to vector<32x128xi32>
    %eq3A_527 = arith.cmpi eq, %add3A_507, %eq3A_526 : vector<32x128xi32>
    %sub3A_528 = vector.broadcast %convert_element_type3A_518 : f32 to vector<32x128xf32>
    %sub3A_529 = arith.subf %sub3A_528, %convert_element_type3A_517 : vector<32x128xf32>
    %div3A_530 = arith.divf %sub3A_529, %max3A_524 : vector<32x128xf32>
    %sub3A_531 = arith.constant 1.000000e+00 : f32
    %sub3A_532 = vector.broadcast %sub3A_531 : f32 to vector<32x128xf32>
    %sub3A_533 = arith.subf %sub3A_532, %div3A_530 : vector<32x128xf32>
    %jit3A_534 = arith.constant 0.000000e+00 : f32
    %broadcast_in_dim3A_535 = vector.broadcast %jit3A_534 : f32 to vector<32x128xf32>
    %select_n3A_536 = arith.select %eq3A_527, %broadcast_in_dim3A_535, %sub3A_533 : vector<32x128xi1>, vector<32x128xf32>
    %iota3A_537 = tpu.iota {dimensions = array<i32: 0>} : vector<32x128xi32>
    %mul3A_538 = arith.constant 128 : i32
    %mul3A_539 = vector.broadcast %mul3A_538 : i32 to vector<32x128xi32>
    %mul3A_540 = arith.muli %iota3A_537, %mul3A_539 : vector<32x128xi32>
    %iota3A_541 = tpu.iota {dimensions = array<i32: 1>} : vector<32x128xi32>
    %add3A_542 = arith.addi %mul3A_540, %iota3A_541 : vector<32x128xi32>
    %eq3A_543 = arith.constant 4095 : i32
    %eq3A_544 = vector.broadcast %eq3A_543 : i32 to vector<32x128xi32>
    %eq3A_545 = arith.cmpi eq, %add3A_542, %eq3A_544 : vector<32x128xi32>
    %eq3A_546 = arith.constant 4094 : i32
    %eq3A_547 = vector.broadcast %eq3A_546 : i32 to vector<32x128xi32>
    %eq3A_548 = arith.cmpi eq, %add3A_542, %eq3A_547 : vector<32x128xi32>
    %jit3A_549 = arith.constant 1.500000e+00 : f32
    %jit3A_550 = arith.constant 1.000000e+00 : f32
    %broadcast_in_dim3A_551 = vector.broadcast %jit3A_549 : f32 to vector<32x128xf32>
    %broadcast_in_dim3A_552 = vector.broadcast %jit3A_550 : f32 to vector<32x128xf32>
    %select_n3A_553 = arith.select %eq3A_548, %broadcast_in_dim3A_551, %broadcast_in_dim3A_552 : vector<32x128xi1>, vector<32x128xf32>
    %jit3A_554 = arith.constant 0.000000e+00 : f32
    %broadcast_in_dim3A_555 = vector.broadcast %jit3A_554 : f32 to vector<32x128xf32>
    %select_n3A_556 = arith.select %eq3A_545, %broadcast_in_dim3A_555, %select_n3A_553 : vector<32x128xi1>, vector<32x128xf32>
    %div3A_557 = arith.constant 5.120000e+02 : f32
    %div3A_558 = vector.broadcast %div3A_557 : f32 to vector<32x128xf32>
    %div3A_559 = arith.divf %select_n3A_556, %div3A_558 : vector<32x128xf32>
    %mul3A_560 = arith.mulf %select_n3A_536, %div3A_559 : vector<32x128xf32>
    %reduce_sum3A_561 = vector.shape_cast %mul3A_560 : vector<32x128xf32> to vector<1x32x128xf32>
    %reduce_sum3A_562 = arith.constant dense<0.000000e+00> : vector<1xf32>
    %reduce_sum3A_563 = vector.multi_reduction <add>, %reduce_sum3A_561, %reduce_sum3A_562 [1, 2] : vector<1x32x128xf32> to vector<1xf32>
    %reduce_sum3A_564 = vector.shape_cast %reduce_sum3A_563 : vector<1xf32> to vector<1x1x1xf32>
    %reduce_sum3A_565 = vector.extract %reduce_sum3A_564[0, 0, 0] : f32 from vector<1x1x1xf32>
    %get3A_566 = arith.constant 2 : index
    %get3A_567 = memref.load %arg1[%get3A_566] : memref<3xf32, #tpu.memory_space<smem>>
    %mul3A_568 = arith.mulf %get3A_567, %reduce_sum3A_565 : f32
    %add3A_569 = arith.addf %add3A_374, %mul3A_568 : f32
    %swap3A = arith.constant 0 : index
    %swap3A_570 = arith.constant 0 : index
    %swap3A_571 = memref.load %arg2[%swap3A, %swap3A_570] : memref<1x1xf32, #tpu.memory_space<smem>>
    memref.store %add3A_569, %arg2[%swap3A, %swap3A_570] : memref<1x1xf32, #tpu.memory_space<smem>>
    return
  }
}

</mosaic_0001>

<sc_bundles>
// kernel: kernel.4.cloned.1.call-start
scs
__scs_entry_jumppad:
0x0: {  	(pc) =	sbr.rel $0x88, $3  }
0x1: {  	(tag) =	ssettag $0x0;
	lr =	simm.s32 $0x1  }
0x2: {  	[smem:$0x3F9E] =	sst lr;
	_ =	strace $0xD0000000  }
0x3: {  	_ = 	snop  }
0x4: {  	_ = 	snop  }
0x5: {  	_ = 	snop  }
0x6: {  	_ = 	snop  }
0x7: {  	_ = 	snop  }
__scs_overlays_trampoline_lowered:
0x8: {  	[smem:$0x3FAD] =	sst s0  }
0x9: {  	[smem:$0x3FAE] =	sst s1  }
0xa: {  	[smem:$0x3FAF] =	sst s2  }
0xb: {  	[smem:$0x3FB0] =	sst s3  }
0xc: {  	[smem:$0x3FB1] =	sst s4  }
0xd: {  	[smem:$0x3FB2] =	sst s5  }
0xe: {  	[smem:$0x3FB3] =	sst s6  }
0xf: {  	[smem:$0x3FB4] =	sst s7  }
0x10: {  	[smem:$0x3FB5] =	sst s8  }
0x11: {  	[smem:$0x3FB6] =	sst s9;
	s0 =	simm.s32 @!p0 $0x0  }
0x12: {  	s1 =	sld [smem:$0x3F9C];
	s0 =	simm.s32 @p0 $0x1  }
0x13: {  	[smem:$0x3FB7] =	sst s0;
	s0 =	simm.s32 @!p1 $0x0  }
0x14: {  	s2 =	sld [smem:$0x3F9B];
	s0 =	simm.s32 @p1 $0x1  }
0x15: {  	[smem:$0x3FB8] =	sst s0;
	s0 =	simm.s32 @!p2 $0x0  }
0x16: {  	s3 =	sld [smem:$0x3FDB];
	s0 =	simm.s32 @p2 $0x1  }
0x17: {  	s4 =	simm.s32 $0x1BF5;
	[smem:$0x3FBA] =	sst s0  }
0x18: {  	s0 =	sld [smem:$0x3F9D];
	_ =	swait.ge [sflag:s4], $0x0  }
0x19: {  	s7 =	sld [smem:$0x3F9E]  }
0x1a: {  	s8 =	sadd.s32 $0xFFFFE003, lr  }
0x1b: {  	s9 =	sadd.s32 $0xFFFFFEF7, lr;
	s5 =	simm.s32 $0xFFFFFFFF;
	p2 =	slt.u32 s8, $0xFFFFF086  }
0x1c: {  	p1 =	slt.u32 s9, $0xF7A;
	s5 =	simm.s32 @!p2 $0x0  }
0x1d: {  	s5 =	simm.s32 @p1 $0x1;
	p0 =	seq.s32 s7, s2  }
0x1e: {  	s7 =	smul.u32 @!p0 $0xF7A, s2;
	p2 =	seq.s32 @!p0 s5, $0x0  }
0x1f: {  	s9 =	smul.u32 $0xF7A, s1;
	s8 =	simm.s32 @!p0 $0x1BF5;
	p2 =	por !p2, p0  }
0x20: {  	[sflag:s8] =	ssyncset.s32 @!p0 $0xFFFFF086;
	s6 =	sadd.s32 @!p0 s3, s7;
	s7 =	simm.s32 @!p0 $0x108  }
0x21: {  	s3 =	sadd.s32 s3, s9;
	s6 =	sadd.s32 @!p0 $0x88, s6;
	s7 =	simm.s32 @p2 $0x1082  }
0x22: {  	[simem:s7], [sflag:s8] =	dma.local @!p0 [hbm:s6], $0xF7A  }
0x23: {  	s9 =	sor.u32 $0xD0000000, s2;
	s6 =	simm.s32 $0x108;
	_ =	swait.ge @!p0 [sflag:s8], $0x0  }
0x24: {  	s3 =	sadd.s32 $0x88, s3;
	s6 =	simm.s32 @!p1 $0x1082;
	[sflag:s4] =	ssyncset.s32 $0xFFFFF086  }
0x25: {  	[simem:s6], [sflag:s4] =	dma.local [hbm:s3], $0xF7A  }
0x26: {  	[smem:$0x3F9E] =	sst s1;
	(tag) =	ssettag s2;
	_ =	strace s9  }
0x27: {  	s1 =	sld [smem:$0x3FAE]  }
0x28: {  	s2 =	sld [smem:$0x3FAF]  }
0x29: {  	s4 =	sld [smem:$0x3FB1]  }
0x2a: {  	p0 =	seq.s32 s5, $0x0;
	s5 =	sld [smem:$0x3FB2]  }
0x2b: {  	s6 =	sld [smem:$0x3FB3]  }
0x2c: {  	s7 =	sld [smem:$0x3FB4]  }
0x2d: {  	s3 =	simm.s32 $0x108;
	s8 =	sld [smem:$0x3FB5]  }
0x2e: {  	s3 =	simm.s32 @!p0 $0x1082;
	s9 =	sld [smem:$0x3FB6]  }
0x2f: {  	lr =	sadd.s32 s0, s3;
	s0 =	sld [smem:$0x3FAD]  }
0x30: {  	s3 =	sld [smem:$0x3FB0]  }
0x31: {  	[smem:$0x3FB9] =	sst s10  }
0x32: {  	s10 =	sld [smem:$0x3FB7];
	_ =	sdelay $0x3  }
0x33: {  	p0 =	seq.s32 s10, $0x1;
	s10 =	sld [smem:$0x3FB9];
	_ =	sdelay $0x3  }
0x34: {  	[smem:$0x3FB9] =	sst s10  }
0x35: {  	s10 =	sld [smem:$0x3FB8];
	_ =	sdelay $0x3  }
0x36: {  	p1 =	seq.s32 s10, $0x1;
	s10 =	sld [smem:$0x3FB9];
	_ =	sdelay $0x3  }
0x37: {  	[smem:$0x3FB9] =	sst s10  }
0x38: {  	s10 =	sld [smem:$0x3FBA]  }
0x39: {  	_ = 	snop;
	(pc) =	sbr.ind lr, $3  }
0x3a: {  	_ = 	snop  }
0x3b: {  	_ = 	snop  }
0x3c: {  	p2 =	seq.s32 s10, $0x1;
	s10 =	sld [smem:$0x3FB9]  }
0x3d: {  	_ =	shalt  }
0x3e: {  	_ =	shalt  }
0x3f: {  	_ =	shalt  }
0x40: {  	_ =	shalt  }
0x41: {  	_ =	shalt  }
0x42: {  	_ =	shalt  }
0x43: {  	_ =	shalt  }
0x44: {  	_ =	shalt  }
0x45: {  	_ =	shalt  }
0x46: {  	_ =	shalt  }
0x47: {  	_ =	shalt  }
0x48: {  	_ =	shalt  }
0x49: {  	_ =	shalt  }
0x4a: {  	_ =	shalt  }
0x4b: {  	_ =	shalt  }
0x4c: {  	_ =	shalt  }
0x4d: {  	_ =	shalt  }
0x4e: {  	_ =	shalt  }
0x4f: {  	_ =	shalt  }
0x50: {  	_ =	shalt  }
0x51: {  	_ =	shalt  }
0x52: {  	_ =	shalt  }
0x53: {  	_ =	shalt  }
0x54: {  	_ =	shalt  }
0x55: {  	_ =	shalt  }
0x56: {  	_ =	shalt  }
0x57: {  	_ =	shalt  }
0x58: {  	_ =	shalt  }
0x59: {  	_ =	shalt  }
0x5a: {  	_ =	shalt  }
0x5b: {  	_ =	shalt  }
0x5c: {  	_ =	shalt  }
0x5d: {  	_ =	shalt  }
0x5e: {  	_ =	shalt  }
0x5f: {  	_ =	shalt  }
0x60: {  	_ =	shalt  }
0x61: {  	_ =	shalt  }
0x62: {  	_ =	shalt  }
0x63: {  	_ =	shalt  }
0x64: {  	_ =	shalt  }
0x65: {  	_ =	shalt  }
0x66: {  	_ =	shalt  }
0x67: {  	_ =	shalt  }
0x68: {  	_ =	shalt  }
0x69: {  	_ =	shalt  }
0x6a: {  	_ =	shalt  }
0x6b: {  	_ =	shalt  }
0x6c: {  	_ =	shalt  }
0x6d: {  	_ =	shalt  }
0x6e: {  	_ =	shalt  }
0x6f: {  	_ =	shalt  }
0x70: {  	_ =	shalt  }
0x71: {  	_ =	shalt  }
0x72: {  	_ =	shalt  }
0x73: {  	_ =	shalt  }
0x74: {  	_ =	shalt  }
0x75: {  	_ =	shalt  }
0x76: {  	_ =	shalt  }
0x77: {  	_ =	shalt  }
0x78: {  	_ =	shalt  }
0x79: {  	_ =	shalt  }
0x7a: {  	_ =	shalt  }
0x7b: {  	_ =	shalt  }
0x7c: {  	_ =	shalt  }
0x7d: {  	_ =	shalt  }
0x7e: {  	_ =	shalt  }
0x7f: {  	_ =	shalt  }
0x80: {  	_ =	shalt  }
0x81: {  	_ =	shalt  }
0x82: {  	_ =	shalt  }
0x83: {  	_ =	shalt  }
0x84: {  	_ =	shalt  }
0x85: {  	_ =	shalt  }
0x86: {  	_ =	shalt  }
0x87: {  	_ =	shalt  }
.Lfunc_end0:
.L_simem_size_0:
called_computation.2_lowered:
.L_overlay_start_0:
0x88: {  	s2 =	sld [smem:$0x3FD9]  }
0x89: {  	s3 =	sld [smem:$0x3FFE];
	_ =	sdelay $0x1  }
0x8a: {  	s1 =	srdreg.scid  }
0x8b: {  	s0 =	sand.u32 $0x1, s1  }
0x8c: {  	s16 =	sshll.u32 s0, $0xA;
	s2 =	sadd.s32 s3, s2  }
0x8d: {  	s2 =	sadd.s32 s2, s16  }
0x8e: {  	[smem:$0x3FC5] =	sst s2  }
0x8f: {  	_ = 	snop  }
0x90: {  	(tm) =	ssettm $0x1  }
0x91: {  	s17 =	sld [smem:$0x3FFB];
	_ =	sdelay $0x3  }
0x92: {  	_ =	strace s17  }
0x93: {  	s2 =	sld [smem:$0x3FFC];
	_ =	sdelay $0x3  }
0x94: {  	_ =	strace s2  }
0x95: {  	s2 =	sld [smem:$0x3FFD];
	_ =	sdelay $0x3  }
0x96: {  	_ =	strace s2  }
0x97: {  	_ =	strace $0x8FFFFFFF  }
0x98: {  	s18 =	sld [smem:$0x3FDB];
	_ =	sdelay $0x1  }
0x99: {  	s19 =	simm.s32 $_scs_section_size  }
0x9a: {  	s4 =	simm.s32 $_size__tile_overlayer_lowered;
	s5 =	simm.s32 $_tile_overlayer_lowered  }
0x9b: {  	s22 =	simm.s32 $0x1BFF;
	s21 =	sshll.u32 s5, $0x1;
	s2 =	sadd.s32 s19, s18  }
0x9c: {  	s6 =	simm.s32 $0x0;
	s20 =	sshll.u32 s4, $0x1;
	s4 =	sadd.s32 s21, s2  }
0x9d: {  	[timem:s6], [sflag:s22] =	dma.local [hbm:s4], s20  }
0x9e: {  	_ =	swait.ge [sflag:s22], s20  }
0x9f: {  	s3 =	ssub.s32 $0x0, s20;
	[sflag:s22] =	ssyncset.done $0x0  }
0xa0: {  	[sflag:s22] =	ssyncadd.s32 s3;
	_ =	sdelay $0x1  }
0xa1: {  	s23 =	simm.s32 $0x1B8B  }
0xa2: {  	_ =	swait.ge [sflag:s23], $0x1  }
0xa3: {  	[sflag:s23] =	ssyncset.done $0x0  }
0xa4: {  	s25 =	simm.s32 $0x1B8E;
	s24 =	sld [smem:$0x3FFE];
	[sflag:s23] =	ssyncadd.s32 $0xFFFFFFFF  }
0xa5: {  	s26 =	simm.s32 $execute0_lowered;
	[smem:$0x3FD2] =	sst s25  }
0xa6: {  	s4 =	sshll.u32 s26, $0x1;
	_ =	strace $0x8000004C;
	[dreg:$0x1] =	wrdreg $0xFFFFFFFF  }
0xa7: {  	s28 =	simm.s32 $_size_execute0_lowered;
	s2 =	sadd.s32 s2, s4;
	[dreg:$0x0] =	wrdreg $0x0  }
0xa8: {  	s4 =	sshll.u32 s28, $0x1;
	[dreg:$0x2] =	wrdreg s2  }
0xa9: {  	[dreg:$0x3] =	wrdreg s4  }
0xaa: {  	[dreg:$0x4] =	wrdreg $0xC0  }
0xab: {  	_ =	task [dreg:s6], $0x5FFFF  }
0xac: {  	[dreg:$0x1] =	wrdreg $0xFFFFFFFF  }
0xad: {  	[dreg:$0x0] =	wrdreg $0x60  }
0xae: {  	[dreg:$0x2] =	wrdreg s24  }
0xaf: {  	[dreg:$0x3] =	wrdreg $0x9  }
0xb0: {  	_ =	task.clear_ibuf [dreg:s6], $0x4FFFF;
	_ =	strace $0x9000004C  }
0xb1: {  	s29 =	simm.s32 $0x9;
	_ =	strace $0x8000004E  }
0xb2: {  	_ =	swait.ge [sflag:s29], $0x1  }
0xb3: {  	[sflag:s29] =	ssyncadd.s32 $0xFFFFFFFF  }
0xb4: {  	_ =	strace $0x9000004E  }
0xb5: {  	_ =	sfence  }
0xb6: {  	s30 =	sld [smem:$0x0];
	_ =	sdelay $0x2  }
0xb7: {  	s31 =	sshll.u32 s1, $0xD;
	s1 =	sshrl.u32 s1, $0x2  }
0xb8: {  	s3 =	sand.u32 $0x4000, s31;
	s1 =	sadd.s32 s1, s30  }
0xb9: {  	s0 =	sor.u32 s3, s0;
	s1 =	sshll.u32 s1, $0x11  }
0xba: {  	s0 =	sor.u32 s1, s0  }
0xbb: {  	s0 =	sadd.s32 $0x8F2B, s0  }
0xbc: {  	[sflag:s0] =	ssyncadd.remote.s32 $0x1  }
0xbd: {  	_ =	sfence.sel $0xFFFF  }
0xbe: {  	[dreg:$0x0] =	wrdreg $0xFFFFFFFF;
	(pc) =	sbr.abs _section_cstart, $3  }
0xbf: {  	[dreg:$0x1] =	wrdreg $0xFFFFFFFF  }
0xc0: {  	_ =	task.clear_ibuf [dreg:s6], $0x2FFFF;
	_ =	strace $0x9FFFFFFF  }
0xc1: {  	(tm) =	ssettm $0x7FFFFFFF  }
tec
execute0_lowered:
.L_overlay_start_1:
0x0: {  	(tag) =	ssettag $0x1  }
0x1: {  	s1 =	srdreg.scid  }
0x2: {  	s0 =	stileid.u32;
	s7 =	rddreg [dreg:$0x0];
	s2 =	simm.s32 $0x0  }
0x3: {  	s8 =	simm.s32 $0x1;
	s5 =	sand.u32 $0x1, s1;
	s30 =	sshll.u32 s0, $0x1  }
0x4: {  	s13 =	simm.s32 $0x10000;
	s14 =	simm.s32 $0x14000;
	s6 =	sor.u32 s5, s30  }
0x5: {  	s1 =	rddreg [dreg:$0x1];
	p1 =	seq.s32 s5, $0x1;
	p0 =	seq.s32 s6, $0x0  }
0x6: {  	s15 =	simm.s32 $0x0;
	[smem:$0x7FF] =	sst s2;
	p0 =	por !p0, !p1  }
0x7: {  	s3 =	sadd.s32 $0xE00, s7;
	s4 =	sadd.s32 $0x180E00, s7;
	p0 =	por !p0, !p0  }
0x8: {  	_ =	strace $0x8000004D;
	s9 =	ssub.s32 $0x2, s5;
	s8 =	simm.s32 @!p0 $0x0  }
0x9: {  	s5 =	sshll.u32 s5, $0x11;
	s6 =	sshll.u32 s6, $0xD;
	s8 =	ssub.s32 s0, s8  }
0xa: {  	v0 =	vlaneseq.u32;
	s31 =	sshrl.u32 s9, $0x1;
	s11 =	sadd.s32 s6, s7;
	s8 =	smul.u32 $0xC0000, s8  }
0xb: {  	v1 =	vmul.u32 $0x1000, v0;
	s12 =	ssub.s32 s9, s31;
	s7 =	simm.s32 $0x1;
	s6 =	sadd.s32 $0x300E00, s11  }
0xc: {  	s9 =	sadd.s32 $0x340E00, s11;
	s11 =	sadd.s32 $0x380E00, s11;
	s5 =	sor.u32 s5, s8  }
0xd: {  	v0 =	vimm.s32 $0x0;
	v1 =	vor.u32 $0xFFF, v1;
	s12 =	smax.u32 s12, $0x1;
	s8 =	sadd.s32 $0x40000, s5;
	s10 =	sadd.s32 $0x80000, s5  }
.LBB2_1:
0xe: {  	s16 =	simm.s32 $0x40;
	s17 =	simm.s32 $0x0  }
.LBB2_2:
0xf: {  	p0 =	sne.s32 s16, $0x3FFC0;
	[tilespmem:s17+$0x0] =	vst v0;
	s17 =	smov.u32 s16;
	s16 =	sadd.s32 $0x40, s16  }
.Ltmp0:
0x10: {  	(pc) =	sbr.rel @p0 .LBB2_2-.Ltmp0, $2  }
0x11: {  	_ =	sdelay $0x2  }
0x12: {  	s17 =	sshra.s32 s17, $0x2  }
0x13: {  	[tilespmem:s17+$0x0] =	vst v0;
	s16 =	simm.s32 $0x0;
	s17 =	simm.s32 $0x0  }
.LBB2_4:
0x14: {  	s18 =	sshll.u32 s17, $0xE  }
0x15: {  	s18 =	sadd.s32 s5, s18  }
0x16: {  	s18 =	sshrl.u32 s18, $0x3  }
0x17: {  	s19 =	sadd.s32 s3, s18  }
0x18: {  	[tilespmem:s13], [sflag:$0x1] =	stream.linear.gather [hbm4b:s19+s16], $0x4000, $0x38;
	[tilespmem:$0x18000] =	vst v63  }
0x19: {  	_ =	swait.ge [sflag:s7], $0x4000  }
0x1a: {  	[sflag:s7] =	ssyncset.done $0x0  }
0x1b: {  	s18 =	sadd.s32 s4, s18;
	[sflag:s7] =	ssyncadd.s32 $0xFFFFC000  }
0x1c: {  	[tilespmem:s14], [sflag:$0x1] =	stream.linear.gather [hbm4b:s18+s16], $0x4000, $0x38;
	[tilespmem:$0x18000] =	vst v63  }
0x1d: {  	_ =	swait.ge [sflag:s7], $0x4000  }
0x1e: {  	[sflag:s7] =	ssyncset.done $0x0  }
0x1f: {  	s19 =	simm.s32 $0x0;
	s18 =	simm.s32 $0x40;
	[sflag:s7] =	ssyncadd.s32 $0xFFFFC000  }
.LBB2_5:
0x20: {  	p0 =	sne.s32 s18, $0xFFC0;
	v2 =	vld [tilespmem:s19+$0x14000];
	_ =	sdelay $0x3  }
0x21: {  	v3 =	vld [tilespmem:s19+$0x10000]  }
0x22: {  	v4 =	vadd.f32 v2, v2;
	_ =	sdelay $0x1  }
0x23: {  	v4 =	vadd.f32 $-1.000000000e+00, v4;
	_ =	sdelay $0x1  }
0x24: {  	v3 =	vmul.f32 v4, v3;
	_ =	sdelay $0x1  }
0x25: {  	v3 =	vsub.f32 $1.000000000e+00, v3;
	_ =	sdelay $0x1  }
0x26: {  	v3 =	vmul.f32 $5.120000000e+02, v3;
	_ =	sdelay $0x1  }
0x27: {  	v3 =	vtrunc.f32 v3  }
0x28: {  	v3 =	vcvt.f32.s32 v3;
	_ =	sdelay $0x1  }
0x29: {  	vm0 =	vgt.s32 v3, $0x0  }
0x2a: {  	v3 =	vnsel vm0, $0x0, v3  }
0x2b: {  	v3 =	vmin.u32 v3, $0xFFF  }
0x2c: {  	v2 =	vtrunc.f32 v2;
	v3 =	vsub.s32 v1, v3  }
.Ltmp1:
0x2d: {  	v2 =	vcvt.f32.s32 v2;
	(pc) =	sbr.rel @p0 .LBB2_5-.Ltmp1, $4  }
0x2e: {  	_ = 	snop  }
0x2f: {  	v2 =	vshll.u32 v2, $0xE  }
0x30: {  	v2 =	vor.u32 $0x1, v2  }
0x31: {  	s19 =	sshra.s32 s18, $0x2;
	s18 =	sadd.s32 $0x40, s18;
	[tilespmem:v3+s2+$0x0] =	vst.idx.add.s32.msk $0xffff, v2  }
0x32: {  	v2 =	vld [tilespmem:s19+$0x14000];
	_ =	sdelay $0x3  }
0x33: {  	v3 =	vld [tilespmem:s19+$0x10000]  }
0x34: {  	v4 =	vadd.f32 v2, v2;
	_ =	sdelay $0x1  }
0x35: {  	v4 =	vadd.f32 $-1.000000000e+00, v4;
	_ =	sdelay $0x1  }
0x36: {  	v3 =	vmul.f32 v4, v3;
	_ =	sdelay $0x1  }
0x37: {  	v3 =	vsub.f32 $1.000000000e+00, v3;
	_ =	sdelay $0x1  }
0x38: {  	v3 =	vmul.f32 $5.120000000e+02, v3;
	_ =	sdelay $0x1  }
0x39: {  	v3 =	vtrunc.f32 v3  }
0x3a: {  	v3 =	vcvt.f32.s32 v3;
	_ =	sdelay $0x1  }
0x3b: {  	vm0 =	vgt.s32 v3, $0x0  }
0x3c: {  	v3 =	vnsel vm0, $0x0, v3  }
0x3d: {  	s17 =	sadd.s32 $0x1, s17;
	v3 =	vmin.u32 v3, $0xFFF  }
0x3e: {  	p0 =	sne.s32 s17, $0x8;
	v2 =	vtrunc.f32 v2;
	v3 =	vsub.s32 v1, v3  }
.Ltmp2:
0x3f: {  	v2 =	vcvt.f32.s32 v2;
	(pc) =	sbr.rel @p0 .LBB2_4-.Ltmp2, $4  }
0x40: {  	_ = 	snop  }
0x41: {  	v2 =	vshll.u32 v2, $0xE  }
0x42: {  	v2 =	vor.u32 $0x1, v2  }
0x43: {  	[tilespmem:v3+s2+$0x0] =	vst.idx.add.s32.msk $0xffff, v2  }
0x44: {  	s16 =	simm.s32 $0x0  }
0x45: {  	[hbm4b:s6+s16] =	stream.linear.scatter [tilespmem:s16], [sflag:$0x1], $0x10000, $0x38;
	[tilespmem:$0x18000] =	vst v63  }
0x46: {  	_ =	swait.ge [sflag:s7], $0x10000  }
0x47: {  	[sflag:s7] =	ssyncset.done $0x0  }
0x48: {  	s17 =	simm.s32 $0x40;
	s18 =	simm.s32 $0x0;
	[sflag:s7] =	ssyncadd.s32 $0xFFFF0000  }
.LBB2_8:
0x49: {  	p0 =	sne.s32 s17, $0x3FFC0;
	[tilespmem:s18+$0x0] =	vst v0;
	s18 =	smov.u32 s17;
	s17 =	sadd.s32 $0x40, s17  }
.Ltmp3:
0x4a: {  	(pc) =	sbr.rel @p0 .LBB2_8-.Ltmp3, $2  }
0x4b: {  	_ =	sdelay $0x2  }
0x4c: {  	s18 =	sshra.s32 s18, $0x2  }
0x4d: {  	[tilespmem:s18+$0x0] =	vst v0  }
.LBB2_10:
0x4e: {  	s17 =	sshll.u32 s16, $0xE  }
0x4f: {  	s17 =	sadd.s32 s8, s17  }
0x50: {  	s17 =	sshrl.u32 s17, $0x3  }
0x51: {  	s19 =	simm.s32 $0x0;
	s18 =	sadd.s32 s3, s17  }
0x52: {  	[tilespmem:s13], [sflag:$0x1] =	stream.linear.gather [hbm4b:s18+s19], $0x4000, $0x38;
	[tilespmem:$0x18000] =	vst v63  }
0x53: {  	_ =	swait.ge [sflag:s7], $0x4000  }
0x54: {  	[sflag:s7] =	ssyncset.done $0x0  }
0x55: {  	s17 =	sadd.s32 s4, s17;
	[sflag:s7] =	ssyncadd.s32 $0xFFFFC000  }
0x56: {  	[tilespmem:s14], [sflag:$0x1] =	stream.linear.gather [hbm4b:s17+s19], $0x4000, $0x38;
	[tilespmem:$0x18000] =	vst v63  }
0x57: {  	_ =	swait.ge [sflag:s7], $0x4000  }
0x58: {  	[sflag:s7] =	ssyncset.done $0x0  }
0x59: {  	s18 =	simm.s32 $0x0;
	s17 =	simm.s32 $0x40;
	[sflag:s7] =	ssyncadd.s32 $0xFFFFC000  }
.LBB2_11:
0x5a: {  	p0 =	sne.s32 s17, $0xFFC0;
	v2 =	vld [tilespmem:s18+$0x14000];
	_ =	sdelay $0x3  }
0x5b: {  	v3 =	vld [tilespmem:s18+$0x10000]  }
0x5c: {  	v4 =	vadd.f32 v2, v2;
	_ =	sdelay $0x1  }
0x5d: {  	v4 =	vadd.f32 $-1.000000000e+00, v4;
	_ =	sdelay $0x1  }
0x5e: {  	v3 =	vmul.f32 v4, v3;
	_ =	sdelay $0x1  }
0x5f: {  	v3 =	vsub.f32 $1.000000000e+00, v3;
	_ =	sdelay $0x1  }
0x60: {  	v3 =	vmul.f32 $5.120000000e+02, v3;
	_ =	sdelay $0x1  }
0x61: {  	v3 =	vtrunc.f32 v3  }
0x62: {  	v3 =	vcvt.f32.s32 v3;
	_ =	sdelay $0x1  }
0x63: {  	vm0 =	vgt.s32 v3, $0x0  }
0x64: {  	v3 =	vnsel vm0, $0x0, v3  }
0x65: {  	v3 =	vmin.u32 v3, $0xFFF  }
0x66: {  	v2 =	vtrunc.f32 v2;
	v3 =	vsub.s32 v1, v3  }
.Ltmp4:
0x67: {  	v2 =	vcvt.f32.s32 v2;
	(pc) =	sbr.rel @p0 .LBB2_11-.Ltmp4, $4  }
0x68: {  	_ = 	snop  }
0x69: {  	v2 =	vshll.u32 v2, $0xE  }
0x6a: {  	v2 =	vor.u32 $0x1, v2  }
0x6b: {  	s18 =	sshra.s32 s17, $0x2;
	s17 =	sadd.s32 $0x40, s17;
	[tilespmem:v3+s2+$0x0] =	vst.idx.add.s32.msk $0xffff, v2  }
0x6c: {  	v2 =	vld [tilespmem:s18+$0x14000];
	_ =	sdelay $0x3  }
0x6d: {  	v3 =	vld [tilespmem:s18+$0x10000]  }
0x6e: {  	v4 =	vadd.f32 v2, v2;
	_ =	sdelay $0x1  }
0x6f: {  	v4 =	vadd.f32 $-1.000000000e+00, v4;
	_ =	sdelay $0x1  }
0x70: {  	v3 =	vmul.f32 v4, v3;
	_ =	sdelay $0x1  }
0x71: {  	v3 =	vsub.f32 $1.000000000e+00, v3;
	_ =	sdelay $0x1  }
0x72: {  	v3 =	vmul.f32 $5.120000000e+02, v3;
	_ =	sdelay $0x1  }
0x73: {  	v3 =	vtrunc.f32 v3  }
0x74: {  	v3 =	vcvt.f32.s32 v3;
	_ =	sdelay $0x1  }
0x75: {  	vm0 =	vgt.s32 v3, $0x0  }
0x76: {  	v3 =	vnsel vm0, $0x0, v3  }
0x77: {  	s16 =	sadd.s32 $0x1, s16;
	v3 =	vmin.u32 v3, $0xFFF  }
0x78: {  	p0 =	sne.s32 s16, $0x8;
	v2 =	vtrunc.f32 v2;
	v3 =	vsub.s32 v1, v3  }
.Ltmp5:
0x79: {  	v2 =	vcvt.f32.s32 v2;
	(pc) =	sbr.rel @p0 .LBB2_10-.Ltmp5, $4  }
0x7a: {  	_ = 	snop  }
0x7b: {  	v2 =	vshll.u32 v2, $0xE  }
0x7c: {  	v2 =	vor.u32 $0x1, v2  }
0x7d: {  	[tilespmem:v3+s2+$0x0] =	vst.idx.add.s32.msk $0xffff, v2  }
0x7e: {  	s16 =	simm.s32 $0x0  }
0x7f: {  	[hbm4b:s9+s16] =	stream.linear.scatter [tilespmem:s16], [sflag:$0x1], $0x10000, $0x38;
	[tilespmem:$0x18000] =	vst v63  }
0x80: {  	_ =	swait.ge [sflag:s7], $0x10000  }
0x81: {  	[sflag:s7] =	ssyncset.done $0x0  }
0x82: {  	s17 =	simm.s32 $0x40;
	s18 =	simm.s32 $0x0;
	[sflag:s7] =	ssyncadd.s32 $0xFFFF0000  }
.LBB2_14:
0x83: {  	p0 =	sne.s32 s17, $0x3FFC0;
	[tilespmem:s18+$0x0] =	vst v0;
	s18 =	smov.u32 s17;
	s17 =	sadd.s32 $0x40, s17  }
.Ltmp6:
0x84: {  	(pc) =	sbr.rel @p0 .LBB2_14-.Ltmp6, $2  }
0x85: {  	_ =	sdelay $0x2  }
0x86: {  	s18 =	sshra.s32 s18, $0x2  }
0x87: {  	[tilespmem:s18+$0x0] =	vst v0  }
.LBB2_16:
0x88: {  	s17 =	sshll.u32 s16, $0xE  }
0x89: {  	s17 =	sadd.s32 s10, s17  }
0x8a: {  	s17 =	sshrl.u32 s17, $0x3  }
0x8b: {  	s19 =	simm.s32 $0x0;
	s18 =	sadd.s32 s3, s17  }
0x8c: {  	[tilespmem:s13], [sflag:$0x1] =	stream.linear.gather [hbm4b:s18+s19], $0x4000, $0x38;
	[tilespmem:$0x18000] =	vst v63  }
0x8d: {  	_ =	swait.ge [sflag:s7], $0x4000  }
0x8e: {  	[sflag:s7] =	ssyncset.done $0x0  }
0x8f: {  	s17 =	sadd.s32 s4, s17;
	[sflag:s7] =	ssyncadd.s32 $0xFFFFC000  }
0x90: {  	[tilespmem:s14], [sflag:$0x1] =	stream.linear.gather [hbm4b:s17+s19], $0x4000, $0x38;
	[tilespmem:$0x18000] =	vst v63  }
0x91: {  	_ =	swait.ge [sflag:s7], $0x4000  }
0x92: {  	[sflag:s7] =	ssyncset.done $0x0  }
0x93: {  	s18 =	simm.s32 $0x0;
	s17 =	simm.s32 $0x40;
	[sflag:s7] =	ssyncadd.s32 $0xFFFFC000  }
.LBB2_17:
0x94: {  	p0 =	sne.s32 s17, $0xFFC0;
	v2 =	vld [tilespmem:s18+$0x14000];
	_ =	sdelay $0x3  }
0x95: {  	v3 =	vld [tilespmem:s18+$0x10000]  }
0x96: {  	v4 =	vadd.f32 v2, v2;
	_ =	sdelay $0x1  }
0x97: {  	v4 =	vadd.f32 $-1.000000000e+00, v4;
	_ =	sdelay $0x1  }
0x98: {  	v3 =	vmul.f32 v4, v3;
	_ =	sdelay $0x1  }
0x99: {  	v3 =	vsub.f32 $1.000000000e+00, v3;
	_ =	sdelay $0x1  }
0x9a: {  	v3 =	vmul.f32 $5.120000000e+02, v3;
	_ =	sdelay $0x1  }
0x9b: {  	v3 =	vtrunc.f32 v3  }
0x9c: {  	v3 =	vcvt.f32.s32 v3;
	_ =	sdelay $0x1  }
0x9d: {  	vm0 =	vgt.s32 v3, $0x0  }
0x9e: {  	v3 =	vnsel vm0, $0x0, v3  }
0x9f: {  	v3 =	vmin.u32 v3, $0xFFF  }
0xa0: {  	v2 =	vtrunc.f32 v2;
	v3 =	vsub.s32 v1, v3  }
.Ltmp7:
0xa1: {  	v2 =	vcvt.f32.s32 v2;
	(pc) =	sbr.rel @p0 .LBB2_17-.Ltmp7, $4  }
0xa2: {  	_ = 	snop  }
0xa3: {  	v2 =	vshll.u32 v2, $0xE  }
0xa4: {  	v2 =	vor.u32 $0x1, v2  }
0xa5: {  	s18 =	sshra.s32 s17, $0x2;
	s17 =	sadd.s32 $0x40, s17;
	[tilespmem:v3+s2+$0x0] =	vst.idx.add.s32.msk $0xffff, v2  }
0xa6: {  	v2 =	vld [tilespmem:s18+$0x14000];
	_ =	sdelay $0x3  }
0xa7: {  	v3 =	vld [tilespmem:s18+$0x10000]  }
0xa8: {  	v4 =	vadd.f32 v2, v2;
	_ =	sdelay $0x1  }
0xa9: {  	v4 =	vadd.f32 $-1.000000000e+00, v4;
	_ =	sdelay $0x1  }
0xaa: {  	v3 =	vmul.f32 v4, v3;
	_ =	sdelay $0x1  }
0xab: {  	v3 =	vsub.f32 $1.000000000e+00, v3;
	_ =	sdelay $0x1  }
0xac: {  	v3 =	vmul.f32 $5.120000000e+02, v3;
	_ =	sdelay $0x1  }
0xad: {  	v3 =	vtrunc.f32 v3  }
0xae: {  	v3 =	vcvt.f32.s32 v3;
	_ =	sdelay $0x1  }
0xaf: {  	vm0 =	vgt.s32 v3, $0x0  }
0xb0: {  	v3 =	vnsel vm0, $0x0, v3  }
0xb1: {  	s16 =	sadd.s32 $0x1, s16;
	v3 =	vmin.u32 v3, $0xFFF  }
0xb2: {  	p0 =	sne.s32 s16, $0x8;
	v2 =	vtrunc.f32 v2;
	v3 =	vsub.s32 v1, v3  }
.Ltmp8:
0xb3: {  	v2 =	vcvt.f32.s32 v2;
	(pc) =	sbr.rel @p0 .LBB2_16-.Ltmp8, $4  }
0xb4: {  	_ = 	snop  }
0xb5: {  	v2 =	vshll.u32 v2, $0xE  }
0xb6: {  	v2 =	vor.u32 $0x1, v2  }
0xb7: {  	[tilespmem:v3+s2+$0x0] =	vst.idx.add.s32.msk $0xffff, v2  }
0xb8: {  	s15 =	sadd.s32 $0x1, s15  }
0xb9: {  	p0 =	sne.s32 s15, s12  }
.Ltmp9:
0xba: {  	_ = 	snop;
	(pc) =	sbr.rel @p0 .LBB2_1-.Ltmp9, $4  }
0xbb: {  	[hbm4b:s11+s2] =	stream.linear.scatter [tilespmem:s2], [sflag:$0x1], $0x10000, $0x38;
	[tilespmem:$0x18000] =	vst v63  }
0xbc: {  	_ =	swait.ge [sflag:s7], $0x10000  }
0xbd: {  	[sflag:s7] =	ssyncset.done $0x0  }
0xbe: {  	[sflag:s7] =	ssyncadd.s32 $0xFFFF0000  }
0xbf: {  	_ =	sfence.sel $0x180000  }
0xc0: {  	[bflag:$0x0] =	sbarrier.arrive $0xFFFF  }
0xc1: {  	p0 =	sne.s32 s0, $0x0;
	_ =	strace $0x9000004D  }
0xc2: {  	s0 =	sadd.s32 @!p0 $0x100000, s1;
	[bflag:$0x2] =	sbarrier.arrive $0xFFFF  }
0xc3: {  	[sflag:s0] =	ssyncadd.tile.s32 @!p0 $0x1;
	_ =	shalt  }
.Lfunc_end2:
_tile_overlayer_lowered:
.L_overlay_start_2:
0xc4: {  	(tag) =	ssettag $0x2  }
0xc5: {  	s0 =	rddreg [dreg:$0x0];
	s2 =	stileid.u32  }
0xc6: {  	s1 =	rddreg [dreg:$0x1];
	p0 =	sne.s32 s2, $0x0  }
0xc7: {  	s3 =	rddreg [dreg:$0x2];
	[bflag:$0x3] =	sbarrier.arrive $0xFFFF;
	s2 =	simm.s32 @!p0 $0x1C01  }
0xc8: {  	[timem:s3], [sflag:s2] =	dma.local @!p0 [hbm:s0], s1  }
0xc9: {  	s0 =	simm.s32 @!p0 $0x1  }
0xca: {  	_ =	swait.ge @!p0 [sflag:s0], s1  }
0xcb: {  	s1 =	ssub.s32 @!p0 $0x0, s1;
	[sflag:s0] =	ssyncset.done @!p0 $0x0  }
0xcc: {  	[sflag:s0] =	ssyncadd.s32 @!p0 s1  }
0xcd: {  	[bflag:$0x3] =	sbarrier.arrive $0xFFFF  }
0xce: {  	_ =	shalt  }

// kernel: sparse-core-data-format-call.1.cloned.1.call-start
scs
called_computation.1_lowered:
.L_overlay_start_0:
0x0: {  	s2 =	sld [smem:$0x3FD9]  }
0x1: {  	s3 =	sld [smem:$0x3FFE];
	_ =	sdelay $0x1  }
0x2: {  	s1 =	srdreg.scid  }
0x3: {  	s0 =	sand.u32 $0x1, s1  }
0x4: {  	s18 =	sshll.u32 s0, $0xA;
	s2 =	sadd.s32 s3, s2  }
0x5: {  	s2 =	sadd.s32 s2, s18  }
0x6: {  	[smem:$0x3FC5] =	sst s2  }
0x7: {  	_ = 	snop  }
0x8: {  	s2 =	sld [smem:$0x3FC9];
	(tm) =	ssettm $0x1  }
0x9: {  	s19 =	sld [smem:$0x3FFB];
	_ =	sdelay $0x3  }
0xa: {  	_ =	strace s19  }
0xb: {  	s3 =	sld [smem:$0x3FFC];
	_ =	sdelay $0x3  }
0xc: {  	_ =	strace s3  }
0xd: {  	s3 =	sld [smem:$0x3FFD];
	_ =	sdelay $0x3  }
0xe: {  	_ =	strace s3  }
0xf: {  	_ =	strace $0x8FFFFFFF  }
0x10: {  	s20 =	sld [smem:$0x3FDB];
	_ =	sdelay $0x1  }
0x11: {  	s4 =	simm.s32 $_scs_section_size  }
0x12: {  	s5 =	simm.s32 $_size__tile_overlayer_lowered;
	s6 =	simm.s32 $_tile_overlayer_lowered  }
0x13: {  	s23 =	simm.s32 $0x1BFF;
	s22 =	sshll.u32 s6, $0x1;
	s3 =	sadd.s32 s4, s20  }
0x14: {  	s7 =	simm.s32 $0x0;
	s21 =	sshll.u32 s5, $0x1;
	s5 =	sadd.s32 s22, s3  }
0x15: {  	[timem:s7], [sflag:s23] =	dma.local [hbm:s5], s21  }
0x16: {  	_ =	swait.ge [sflag:s23], s21  }
0x17: {  	s4 =	ssub.s32 $0x0, s21;
	[sflag:s23] =	ssyncset.done $0x0  }
0x18: {  	[sflag:s23] =	ssyncadd.s32 s4;
	_ =	sdelay $0x1  }
0x19: {  	s24 =	simm.s32 $0x1B8B  }
0x1a: {  	_ =	swait.ge [sflag:s24], $0x1  }
0x1b: {  	[sflag:s24] =	ssyncset.done $0x0  }
0x1c: {  	s26 =	simm.s32 $0x1B8E;
	s25 =	sld [smem:$0x3FFE];
	[sflag:s24] =	ssyncadd.s32 $0xFFFFFFFF  }
0x1d: {  	s27 =	simm.s32 $execute0_lowered;
	[smem:$0x3FD2] =	sst s26  }
0x1e: {  	s5 =	sshll.u32 s27, $0x1;
	_ =	strace $0x80000046;
	[dreg:$0x1] =	wrdreg $0xFFFFFFFF  }
0x1f: {  	s28 =	simm.s32 $_size_execute0_lowered;
	s3 =	sadd.s32 s3, s5;
	[dreg:$0x0] =	wrdreg $0x0  }
0x20: {  	s5 =	sshll.u32 s28, $0x1;
	[dreg:$0x2] =	wrdreg s3  }
0x21: {  	[dreg:$0x3] =	wrdreg s5  }
0x22: {  	[dreg:$0x4] =	wrdreg $0xC0  }
0x23: {  	_ =	task [dreg:s7], $0x5FFFF  }
0x24: {  	[dreg:$0x1] =	wrdreg $0xFFFFFFFF  }
0x25: {  	[dreg:$0x0] =	wrdreg $0x60  }
0x26: {  	[dreg:$0x2] =	wrdreg s2  }
0x27: {  	[dreg:$0x3] =	wrdreg s25  }
0x28: {  	[dreg:$0x4] =	wrdreg $0xA  }
0x29: {  	_ =	task.clear_ibuf [dreg:s7], $0x5FFFF;
	_ =	strace $0x90000046  }
0x2a: {  	s29 =	simm.s32 $0xA;
	_ =	strace $0x80000048  }
0x2b: {  	_ =	swait.ge [sflag:s29], $0x1  }
0x2c: {  	[sflag:s29] =	ssyncadd.s32 $0xFFFFFFFF  }
0x2d: {  	_ =	strace $0x90000048  }
0x2e: {  	_ =	sfence  }
0x2f: {  	s30 =	sld [smem:$0x0];
	_ =	sdelay $0x2  }
0x30: {  	s31 =	sshll.u32 s1, $0xD;
	s1 =	sshrl.u32 s1, $0x2  }
0x31: {  	s3 =	sand.u32 $0x4000, s31;
	s1 =	sadd.s32 s1, s30  }
0x32: {  	s0 =	sor.u32 s3, s0;
	s1 =	sshll.u32 s1, $0x11  }
0x33: {  	s0 =	sor.u32 s1, s0  }
0x34: {  	s0 =	sadd.s32 $0x8F2B, s0  }
0x35: {  	[sflag:s0] =	ssyncadd.remote.s32 $0x1  }
0x36: {  	_ =	sfence.sel $0xFFFF  }
0x37: {  	[dreg:$0x0] =	wrdreg $0xFFFFFFFF;
	(pc) =	sbr.abs _section_cstart, $3  }
0x38: {  	[dreg:$0x1] =	wrdreg $0xFFFFFFFF  }
0x39: {  	_ =	task.clear_ibuf [dreg:s7], $0x2FFFF;
	_ =	strace $0x9FFFFFFF  }
0x3a: {  	(tm) =	ssettm $0x7FFFFFFF  }
0x3b: {  	_ =	shalt  }
tec
execute0_lowered:
.L_overlay_start_1:
0x0: {  	(tag) =	ssettag $0x1  }
0x1: {  	s0 =	srdreg.scid  }
0x2: {  	s1 =	sshll.u32 s0, $0x4  }
0x3: {  	s2 =	rddreg [dreg:$0x0];
	s0 =	stileid.u32;
	s1 =	sand.u32 $0x10, s1  }
0x4: {  	s4 =	rddreg [dreg:$0x1];
	s7 =	simm.s32 $0x1;
	s1 =	sor.u32 s0, s1  }
0x5: {  	s8 =	simm.s32 $0x2;
	s9 =	simm.s32 $0x0;
	s3 =	sshll.u32 s1, $0x2  }
0x6: {  	s12 =	simm.s32 $0x0;
	s11 =	simm.s32 $0x0;
	s6 =	ssub.s32 $0xC00, s3  }
.Ltmp0:
0x7: {  	s4 =	sadd.s32 $0xE00, s4;
	s5 =	sand.u32 $0x7C, s6;
	(pc) =	sbr.rel .LBB1_1-.Ltmp0, $4  }
0x8: {  	s1 =	rddreg [dreg:$0x2];
	_ =	strace $0x80000047;
	p0 =	sne.s32 s5, $0x0  }
0x9: {  	s6 =	sshrl.u32 s6, $0x7;
	s5 =	simm.s32 $0x1;
	s7 =	simm.s32 @!p0 $0x0  }
0xa: {  	s10 =	smov.u32 s3;
	[sflag:s5] =	ssyncpa.u1 $0x0;
	s6 =	sadd.s32 s7, s6  }
0xb: {  	[sflag:s8] =	ssyncpa.u1 $0x0;
	s8 =	simm.s32 $0x0;
	s7 =	sadd.s32 $0x1, s6  }
.LBB1_9:
0xc: {  	s14 =	sadd.s32 $0x80, s10  }
0xd: {  	p1 =	sgt.s32 s14, $0xBFF  }
0xe: {  	s14 =	smov.u32 @p1 s3;
	p1 =	sne.s32 s11, s7  }
.Ltmp1:
0xf: {  	p0 =	slt.u32 s11, $0x2;
	(pc) =	sbr.rel @!p1 .LBB1_10-.Ltmp1, $4  }
0x10: {  	s13 =	simm.s32 @!p0 $0x2  }
0x11: {  	s15 =	sadd.s32 $0x1, s11;
	_ =	swait.ge @!p0 [sflag:s13], $0x4000  }
0x12: {  	s12 =	smov.u32 s10;
	s9 =	sadd.s32 $0x4000, s9;
	[sflag:s13] =	ssyncset.done @!p0 $0x0  }
0x13: {  	s11 =	smov.u32 s15;
	s10 =	smov.u32 s14;
	[sflag:s13] =	ssyncadd.s32 @!p0 $0xFFFFC000  }
.LBB1_1:
0x14: {  	p0 =	sge.u32 s11, s6  }
0x15: {  	s13 =	sxor.u32 @!p0 $0xFFFFFFFF, s11  }
0x16: {  	s31 =	sadd.s32 $0xFFFFFFFF, s11;
	s14 =	sshll.u32 @!p0 s10, $0x9;
	s13 =	sshll.u32 @!p0 s13, $0xE  }
0x17: {  	s15 =	simm.s32 @!p0 $0x0;
	s14 =	sadd.s32 @!p0 s2, s14;
	s13 =	sand.u32 @!p0 $0x4000, s13  }
0x18: {  	[tilespmem:s13], [sflag:$0x1] =	stream.linear.gather @!p0 [hbm4b:s14+s15], $0x4000, $0x38;
	[tilespmem:$0x10000] =	vst v63  }
0x19: {  	p0 =	sge.u32 s31, s6  }
.Ltmp2:
0x1a: {  	_ = 	snop;
	(pc) =	sbr.rel @p0 .LBB1_9-.Ltmp2, $1  }
0x1b: {  	_ =	sdelay $0x3  }
0x1c: {  	s14 =	sand.u32 $0x4000, s9  }
0x1d: {  	_ =	swait.ge [sflag:s5], $0x4000;
	s15 =	sshll.u32 s11, $0xE;
	s16 =	simm.s32 $0x0  }
0x1e: {  	s13 =	sor.u32 $0x40, s14;
	[sflag:s5] =	ssyncset.done $0x0;
	s15 =	sand.u32 $0x4000, s15  }
0x1f: {  	s14 =	sor.u32 $0x8040, s14;
	[sflag:s5] =	ssyncadd.s32 $0xFFFFC000;
	s15 =	sor.u32 $0x8000, s15  }
.LBB1_3:
0x20: {  	s17 =	smov.u32 s14;
	s18 =	smov.u32 s13;
	s19 =	simm.s32 $0x0  }
.LBB1_4:
0x21: {  	v0 =	vmov s17;
	v2 =	vld [tilespmem:s18+$0x30]  }
0x22: {  	v4 =	vld [tilespmem:s18+$0xFFFFFFD0]  }
0x23: {  	v6 =	vld [tilespmem:s18+$0xFFFFFFE0]  }
0x24: {  	v7 =	vld [tilespmem:s18+$0xFFFFFFF0]  }
0x25: {  	s20 =	simm.s32 $0x0;
	v1 =	vld [tilespmem:s18+$0x0]  }
0x26: {  	v3 =	vld [tilespmem:s18+$0x10];
	[tilespmem:v0+s20+$0x30 ss:$0x1] =	vst.idx.msk $0xffff, v2  }
0x27: {  	v5 =	vld [tilespmem:s18+$0x20];
	[tilespmem:v0+s20+$0xFFFFFFD0 ss:$0x1] =	vst.idx.msk $0xffff, v4  }
0x28: {  	s21 =	sadd.s32 $0x80, s18;
	v2 =	vld [tilespmem:s18+$0xFFFFFFC0];
	[tilespmem:v0+s20+$0xFFFFFFE0 ss:$0x1] =	vst.idx.msk $0xffff, v6  }
0x29: {  	s22 =	simm.s32 $0x800;
	s23 =	simm.s32 $0x1000;
	v4 =	vld [tilespmem:s21+$0x30];
	[tilespmem:v0+s20+$0xFFFFFFF0 ss:$0x1] =	vst.idx.msk $0xffff, v7  }
.LBB1_5:
0x2a: {  	p0 =	sne.s32 s23, $0x3800;
	v6 =	vld [tilespmem:s21+$0xFFFFFFD0];
	[tilespmem:v0+s20+$0x0 ss:$0x1] =	vst.idx.msk $0xffff, v1  }
0x2b: {  	v7 =	vld [tilespmem:s21+$0xFFFFFFE0];
	[tilespmem:v0+s20+$0x10 ss:$0x1] =	vst.idx.msk $0xffff, v3  }
0x2c: {  	v8 =	vld [tilespmem:s21+$0xFFFFFFF0];
	[tilespmem:v0+s20+$0x20 ss:$0x1] =	vst.idx.msk $0xffff, v5  }
.Ltmp3:
0x2d: {  	v1 =	vld [tilespmem:s21+$0x0];
	[tilespmem:v0+s20+$0xFFFFFFC0 ss:$0x1] =	vst.idx.msk $0xffff, v2;
	s20 =	sshra.s32 s22, $0x2;
	s22 =	smov.u32 s23;
	(pc) =	sbr.rel @p0 .LBB1_5-.Ltmp3, $4  }
0x2e: {  	v3 =	vld [tilespmem:s21+$0x10];
	[tilespmem:v0+s20+$0x30 ss:$0x1] =	vst.idx.msk $0xffff, v4  }
0x2f: {  	[tilespmem:v0+s20+$0xFFFFFFD0 ss:$0x1] =	vst.idx.msk $0xffff, v6;
	v5 =	vld [tilespmem:s21+$0x20]  }
0x30: {  	v2 =	vld [tilespmem:s21+$0xFFFFFFC0];
	[tilespmem:v0+s20+$0xFFFFFFE0 ss:$0x1] =	vst.idx.msk $0xffff, v7;
	s21 =	sadd.s32 $0x80, s21  }
0x31: {  	s23 =	sadd.s32 $0x800, s23;
	v4 =	vld [tilespmem:s21+$0x30];
	[tilespmem:v0+s20+$0xFFFFFFF0 ss:$0x1] =	vst.idx.msk $0xffff, v8  }
0x32: {  	_ =	sdelay $0x3  }
0x33: {  	v6 =	vld [tilespmem:s21+$0xFFFFFFD0];
	[tilespmem:v0+s20+$0x0 ss:$0x1] =	vst.idx.msk $0xffff, v1  }
0x34: {  	v58 =	vld [tilespmem:s21+$0xFFFFFFE0];
	[tilespmem:v0+s20+$0x10 ss:$0x1] =	vst.idx.msk $0xffff, v3  }
0x35: {  	v59 =	vld [tilespmem:s21+$0xFFFFFFF0];
	[tilespmem:v0+s20+$0x20 ss:$0x1] =	vst.idx.msk $0xffff, v5  }
0x36: {  	s22 =	sshra.s32 s22, $0x2;
	v60 =	vld [tilespmem:s21+$0x0];
	[tilespmem:v0+s20+$0xFFFFFFC0 ss:$0x1] =	vst.idx.msk $0xffff, v2  }
0x37: {  	v61 =	vld [tilespmem:s21+$0x10];
	[tilespmem:v0+s22+$0x30 ss:$0x1] =	vst.idx.msk $0xffff, v4  }
0x38: {  	v62 =	vld [tilespmem:s21+$0x20];
	s19 =	sadd.s32 $0x1, s19;
	[tilespmem:v0+s22+$0xFFFFFFD0 ss:$0x1] =	vst.idx.msk $0xffff, v6  }
0x39: {  	v63 =	vld [tilespmem:s21+$0xFFFFFFC0];
	p0 =	sne.s32 s19, $0x4;
	[tilespmem:v0+s22+$0xFFFFFFE0 ss:$0x1] =	vst.idx.msk $0xffff, v58  }
.Ltmp4:
0x3a: {  	[tilespmem:v0+s22+$0xFFFFFFF0 ss:$0x1] =	vst.idx.msk $0xffff, v59;
	(pc) =	sbr.rel @p0 .LBB1_4-.Ltmp4, $4  }
0x3b: {  	[tilespmem:v0+s22+$0x0 ss:$0x1] =	vst.idx.msk $0xffff, v60  }
0x3c: {  	[tilespmem:v0+s22+$0x10 ss:$0x1] =	vst.idx.msk $0xffff, v61  }
0x3d: {  	[tilespmem:v0+s22+$0x20 ss:$0x1] =	vst.idx.msk $0xffff, v62  }
0x3e: {  	s18 =	sadd.s32 $0x400, s18;
	s17 =	sadd.s32 $0x80, s17;
	[tilespmem:v0+s22+$0xFFFFFFC0 ss:$0x1] =	vst.idx.msk $0xffff, v63  }
0x3f: {  	s16 =	sadd.s32 $0x1, s16  }
0x40: {  	p0 =	sne.s32 s16, $0x4  }
.Ltmp5:
0x41: {  	_ = 	snop;
	(pc) =	sbr.rel @p0 .LBB1_3-.Ltmp5, $2  }
0x42: {  	_ =	sdelay $0x2  }
0x43: {  	s13 =	sadd.s32 $0x1000, s13;
	s14 =	sadd.s32 $0x1000, s14  }
.Ltmp6:
0x44: {  	(pc) =	sbr.rel .LBB1_9-.Ltmp6, $4  }
0x45: {  	_ = 	snop  }
0x46: {  	s12 =	sshll.u32 s12, $0x9  }
0x47: {  	s12 =	sadd.s32 s4, s12  }
0x48: {  	[hbm4b:s12+s8] =	stream.linear.scatter [tilespmem:s15], [sflag:$0x2], $0x4000, $0x38;
	[tilespmem:$0x10000] =	vst v63  }
.LBB1_10:
0x49: {  	_ =	sfence.sel $0x180000  }
0x4a: {  	s2 =	simm.s32 $0x1;
	[bflag:$0x0] =	sbarrier.arrive $0xFFFF  }
0x4b: {  	s31 =	simm.s32 $0x2;
	[sflag:s2] =	ssyncpa.u1 $0x1  }
0x4c: {  	[sflag:s31] =	ssyncpa.u1 $0x1  }
0x4d: {  	p0 =	sne.s32 s0, $0x0;
	_ =	strace $0x90000047  }
0x4e: {  	s0 =	sadd.s32 @!p0 $0x100000, s1;
	[bflag:$0x2] =	sbarrier.arrive $0xFFFF  }
0x4f: {  	[sflag:s0] =	ssyncadd.tile.s32 @!p0 $0x1;
	_ =	shalt  }
.Lfunc_end1:
_tile_overlayer_lowered:
.L_overlay_start_2:
0x50: {  	(tag) =	ssettag $0x2  }
0x51: {  	s0 =	rddreg [dreg:$0x0];
	s2 =	stileid.u32  }
0x52: {  	s1 =	rddreg [dreg:$0x1];
	p0 =	sne.s32 s2, $0x0  }
0x53: {  	s3 =	rddreg [dreg:$0x2];
	[bflag:$0x3] =	sbarrier.arrive $0xFFFF;
	s2 =	simm.s32 @!p0 $0x1C01  }
0x54: {  	[timem:s3], [sflag:s2] =	dma.local @!p0 [hbm:s0], s1  }
0x55: {  	s0 =	simm.s32 @!p0 $0x1  }
0x56: {  	_ =	swait.ge @!p0 [sflag:s0], s1  }
0x57: {  	s1 =	ssub.s32 @!p0 $0x0, s1;
	[sflag:s0] =	ssyncset.done @!p0 $0x0  }
0x58: {  	[sflag:s0] =	ssyncadd.s32 @!p0 s1  }
0x59: {  	[bflag:$0x3] =	sbarrier.arrive $0xFFFF  }
0x5a: {  	_ =	shalt  }

// kernel: sparse-core-data-format-call.cloned.1.call-start
scs
called_computation_lowered:
.L_overlay_start_0:
0x0: {  	s2 =	sld [smem:$0x3FD9]  }
0x1: {  	s3 =	sld [smem:$0x3FFE];
	_ =	sdelay $0x1  }
0x2: {  	s1 =	srdreg.scid  }
0x3: {  	s0 =	sand.u32 $0x1, s1  }
0x4: {  	s18 =	sshll.u32 s0, $0xA;
	s2 =	sadd.s32 s3, s2  }
0x5: {  	s2 =	sadd.s32 s2, s18  }
0x6: {  	[smem:$0x3FC5] =	sst s2  }
0x7: {  	_ = 	snop  }
0x8: {  	s19 =	sld [smem:$0x3FC8];
	(tm) =	ssettm $0x1  }
0x9: {  	s20 =	sld [smem:$0x3FFB];
	_ =	sdelay $0x3  }
0xa: {  	_ =	strace s20  }
0xb: {  	s2 =	sld [smem:$0x3FFC];
	_ =	sdelay $0x3  }
0xc: {  	_ =	strace s2  }
0xd: {  	s2 =	sld [smem:$0x3FFD];
	_ =	sdelay $0x3  }
0xe: {  	_ =	strace s2  }
0xf: {  	_ =	strace $0x8FFFFFFF  }
0x10: {  	s21 =	sld [smem:$0x3FDB];
	_ =	sdelay $0x1  }
0x11: {  	s4 =	simm.s32 $_scs_section_size  }
0x12: {  	s5 =	simm.s32 $_size__tile_overlayer_lowered;
	s6 =	simm.s32 $_tile_overlayer_lowered  }
0x13: {  	s7 =	simm.s32 $0x1BFF;
	s22 =	sshll.u32 s6, $0x1;
	s4 =	sadd.s32 s4, s21  }
0x14: {  	s23 =	simm.s32 $0x0;
	s5 =	sshll.u32 s5, $0x1;
	s6 =	sadd.s32 s22, s4  }
0x15: {  	[timem:s23], [sflag:s7] =	dma.local [hbm:s6], s5  }
0x16: {  	_ =	swait.ge [sflag:s7], s5  }
0x17: {  	s5 =	ssub.s32 $0x0, s5;
	[sflag:s7] =	ssyncset.done $0x0  }
0x18: {  	[sflag:s7] =	ssyncadd.s32 s5;
	_ =	sdelay $0x1  }
0x19: {  	s24 =	simm.s32 $0x1B8B  }
0x1a: {  	_ =	swait.ge [sflag:s24], $0x1  }
0x1b: {  	[sflag:s24] =	ssyncset.done $0x0  }
0x1c: {  	[sflag:s24] =	ssyncadd.s32 $0xFFFFFFFF  }
0x1d: {  	s5 =	sld [smem:$0x0]  }
0x1e: {  	s6 =	sand.u32 $0xFFFFFFFE, s1  }
0x1f: {  	p0 =	sne.s32 s1, s6  }
0x20: {  	s6 =	sshll.u32 @p0 s6, $0xE  }
0x21: {  	s6 =	sadd.s32 @p0 $0x11B8D, s6;
	s7 =	sshll.u32 @p0 s5, $0x11  }
0x22: {  	s6 =	sor.u32 @p0 s7, s6  }
0x23: {  	[sflag:s6] =	ssyncadd.remote.s32 @p0 $0x1;
	_ =	sdelay $0x1  }
0x24: {  	s6 =	simm.s32 @p0 $0x1B8D  }
0x25: {  	_ =	swait.eq @p0 [sflag:s6], $0x1  }
0x26: {  	[sflag:s6] =	ssyncadd.s32 @p0 $0xFFFFFFFF  }
0x27: {  	s7 =	sshll.u32 @!p0 s1, $0xE  }
0x28: {  	s7 =	sor.u32 @!p0 $0x4000, s7;
	s6 =	simm.s32 @!p0 $0x1B8D  }
0x29: {  	s5 =	sshll.u32 @!p0 s5, $0x11;
	s7 =	sadd.s32 @!p0 $0x11B8D, s7;
	_ =	swait.eq @!p0 [sflag:s6], $0x1  }
0x2a: {  	s5 =	sor.u32 @!p0 s5, s7;
	[sflag:s6] =	ssyncadd.s32 @!p0 $0xFFFFFFFF  }
0x2b: {  	s26 =	simm.s32 $0x1B8E;
	s25 =	sld [smem:$0x3FFE];
	[sflag:s5] =	ssyncadd.remote.s32 @!p0 $0x1  }
0x2c: {  	s27 =	simm.s32 $execute0_lowered;
	[smem:$0x3FD2] =	sst s26  }
0x2d: {  	s6 =	sshll.u32 s27, $0x1;
	_ =	strace $0x80000049;
	[dreg:$0x1] =	wrdreg $0xFFFFFFFF  }
0x2e: {  	s28 =	simm.s32 $_size_execute0_lowered;
	s4 =	sadd.s32 s4, s6;
	[dreg:$0x0] =	wrdreg $0x0  }
0x2f: {  	s6 =	sshll.u32 s28, $0x1;
	[dreg:$0x2] =	wrdreg s4  }
0x30: {  	[dreg:$0x3] =	wrdreg s6  }
0x31: {  	[dreg:$0x4] =	wrdreg $0xC0  }
0x32: {  	_ =	task [dreg:s23], $0x5FFFF  }
0x33: {  	[dreg:$0x1] =	wrdreg $0xFFFFFFFF  }
0x34: {  	[dreg:$0x0] =	wrdreg $0x60  }
0x35: {  	[dreg:$0x2] =	wrdreg s19  }
0x36: {  	[dreg:$0x3] =	wrdreg s25  }
0x37: {  	[dreg:$0x4] =	wrdreg $0x9  }
0x38: {  	_ =	task.clear_ibuf [dreg:s23], $0x5FFFF;
	_ =	strace $0x90000049  }
0x39: {  	s29 =	simm.s32 $0x9;
	_ =	strace $0x8000004B  }
0x3a: {  	_ =	swait.ge [sflag:s29], $0x1  }
0x3b: {  	[sflag:s29] =	ssyncadd.s32 $0xFFFFFFFF  }
0x3c: {  	_ =	strace $0x9000004B  }
0x3d: {  	_ =	sfence  }
0x3e: {  	s30 =	sld [smem:$0x0];
	_ =	sdelay $0x2  }
0x3f: {  	s31 =	sshll.u32 s1, $0xD;
	s1 =	sshrl.u32 s1, $0x2  }
0x40: {  	s4 =	sand.u32 $0x4000, s31;
	s1 =	sadd.s32 s1, s30  }
0x41: {  	s0 =	sor.u32 s4, s0;
	s1 =	sshll.u32 s1, $0x11  }
0x42: {  	s0 =	sor.u32 s1, s0  }
0x43: {  	s0 =	sadd.s32 $0x8F2B, s0  }
0x44: {  	[sflag:s0] =	ssyncadd.remote.s32 $0x1  }
0x45: {  	_ =	sfence.sel $0xFFFF  }
0x46: {  	[dreg:$0x0] =	wrdreg $0xFFFFFFFF;
	(pc) =	sbr.abs _section_cstart, $3  }
0x47: {  	[dreg:$0x1] =	wrdreg $0xFFFFFFFF  }
0x48: {  	_ =	task.clear_ibuf [dreg:s23], $0x2FFFF;
	_ =	strace $0x9FFFFFFF  }
0x49: {  	(tm) =	ssettm $0x7FFFFFFF  }
tec
execute0_lowered:
.L_overlay_start_1:
0x0: {  	(tag) =	ssettag $0x1  }
0x1: {  	s0 =	srdreg.scid  }
0x2: {  	s1 =	sshll.u32 s0, $0x4  }
0x3: {  	s2 =	rddreg [dreg:$0x0];
	s0 =	stileid.u32;
	s1 =	sand.u32 $0x10, s1  }
0x4: {  	s4 =	rddreg [dreg:$0x1];
	s7 =	simm.s32 $0x1;
	s1 =	sor.u32 s0, s1  }
0x5: {  	s8 =	simm.s32 $0x2;
	s9 =	simm.s32 $0x0;
	s3 =	sshll.u32 s1, $0x2  }
0x6: {  	s12 =	simm.s32 $0x0;
	s11 =	simm.s32 $0x0;
	s6 =	ssub.s32 $0xC00, s3  }
.Ltmp0:
0x7: {  	s4 =	sadd.s32 $0x180E00, s4;
	s5 =	sand.u32 $0x7C, s6;
	(pc) =	sbr.rel .LBB1_1-.Ltmp0, $4  }
0x8: {  	s1 =	rddreg [dreg:$0x2];
	_ =	strace $0x8000004A;
	p0 =	sne.s32 s5, $0x0  }
0x9: {  	s6 =	sshrl.u32 s6, $0x7;
	s5 =	simm.s32 $0x1;
	s7 =	simm.s32 @!p0 $0x0  }
0xa: {  	s10 =	smov.u32 s3;
	[sflag:s5] =	ssyncpa.u1 $0x0;
	s6 =	sadd.s32 s7, s6  }
0xb: {  	[sflag:s8] =	ssyncpa.u1 $0x0;
	s8 =	simm.s32 $0x0;
	s7 =	sadd.s32 $0x1, s6  }
.LBB1_9:
0xc: {  	s14 =	sadd.s32 $0x80, s10  }
0xd: {  	p1 =	sgt.s32 s14, $0xBFF  }
0xe: {  	s14 =	smov.u32 @p1 s3;
	p1 =	sne.s32 s11, s7  }
.Ltmp1:
0xf: {  	p0 =	slt.u32 s11, $0x2;
	(pc) =	sbr.rel @!p1 .LBB1_10-.Ltmp1, $4  }
0x10: {  	s13 =	simm.s32 @!p0 $0x2  }
0x11: {  	s15 =	sadd.s32 $0x1, s11;
	_ =	swait.ge @!p0 [sflag:s13], $0x4000  }
0x12: {  	s12 =	smov.u32 s10;
	s9 =	sadd.s32 $0x4000, s9;
	[sflag:s13] =	ssyncset.done @!p0 $0x0  }
0x13: {  	s11 =	smov.u32 s15;
	s10 =	smov.u32 s14;
	[sflag:s13] =	ssyncadd.s32 @!p0 $0xFFFFC000  }
.LBB1_1:
0x14: {  	p0 =	sge.u32 s11, s6  }
0x15: {  	s13 =	sxor.u32 @!p0 $0xFFFFFFFF, s11  }
0x16: {  	s31 =	sadd.s32 $0xFFFFFFFF, s11;
	s14 =	sshll.u32 @!p0 s10, $0x9;
	s13 =	sshll.u32 @!p0 s13, $0xE  }
0x17: {  	s15 =	simm.s32 @!p0 $0x0;
	s14 =	sadd.s32 @!p0 s2, s14;
	s13 =	sand.u32 @!p0 $0x4000, s13  }
0x18: {  	[tilespmem:s13], [sflag:$0x1] =	stream.linear.gather @!p0 [hbm4b:s14+s15], $0x4000, $0x38;
	[tilespmem:$0x10000] =	vst v63  }
0x19: {  	p0 =	sge.u32 s31, s6  }
.Ltmp2:
0x1a: {  	_ = 	snop;
	(pc) =	sbr.rel @p0 .LBB1_9-.Ltmp2, $1  }
0x1b: {  	_ =	sdelay $0x3  }
0x1c: {  	s14 =	sand.u32 $0x4000, s9  }
0x1d: {  	_ =	swait.ge [sflag:s5], $0x4000;
	s15 =	sshll.u32 s11, $0xE;
	s16 =	simm.s32 $0x0  }
0x1e: {  	s13 =	sor.u32 $0x40, s14;
	[sflag:s5] =	ssyncset.done $0x0;
	s15 =	sand.u32 $0x4000, s15  }
0x1f: {  	s14 =	sor.u32 $0x8040, s14;
	[sflag:s5] =	ssyncadd.s32 $0xFFFFC000;
	s15 =	sor.u32 $0x8000, s15  }
.LBB1_3:
0x20: {  	s17 =	smov.u32 s14;
	s18 =	smov.u32 s13;
	s19 =	simm.s32 $0x0  }
.LBB1_4:
0x21: {  	v0 =	vmov s17;
	v2 =	vld [tilespmem:s18+$0x30]  }
0x22: {  	v4 =	vld [tilespmem:s18+$0xFFFFFFD0]  }
0x23: {  	v6 =	vld [tilespmem:s18+$0xFFFFFFE0]  }
0x24: {  	v7 =	vld [tilespmem:s18+$0xFFFFFFF0]  }
0x25: {  	s20 =	simm.s32 $0x0;
	v1 =	vld [tilespmem:s18+$0x0]  }
0x26: {  	v3 =	vld [tilespmem:s18+$0x10];
	[tilespmem:v0+s20+$0x30 ss:$0x1] =	vst.idx.msk $0xffff, v2  }
0x27: {  	v5 =	vld [tilespmem:s18+$0x20];
	[tilespmem:v0+s20+$0xFFFFFFD0 ss:$0x1] =	vst.idx.msk $0xffff, v4  }
0x28: {  	s21 =	sadd.s32 $0x80, s18;
	v2 =	vld [tilespmem:s18+$0xFFFFFFC0];
	[tilespmem:v0+s20+$0xFFFFFFE0 ss:$0x1] =	vst.idx.msk $0xffff, v6  }
0x29: {  	s22 =	simm.s32 $0x800;
	s23 =	simm.s32 $0x1000;
	v4 =	vld [tilespmem:s21+$0x30];
	[tilespmem:v0+s20+$0xFFFFFFF0 ss:$0x1] =	vst.idx.msk $0xffff, v7  }
.LBB1_5:
0x2a: {  	p0 =	sne.s32 s23, $0x3800;
	v6 =	vld [tilespmem:s21+$0xFFFFFFD0];
	[tilespmem:v0+s20+$0x0 ss:$0x1] =	vst.idx.msk $0xffff, v1  }
0x2b: {  	v7 =	vld [tilespmem:s21+$0xFFFFFFE0];
	[tilespmem:v0+s20+$0x10 ss:$0x1] =	vst.idx.msk $0xffff, v3  }
0x2c: {  	v8 =	vld [tilespmem:s21+$0xFFFFFFF0];
	[tilespmem:v0+s20+$0x20 ss:$0x1] =	vst.idx.msk $0xffff, v5  }
.Ltmp3:
0x2d: {  	v1 =	vld [tilespmem:s21+$0x0];
	[tilespmem:v0+s20+$0xFFFFFFC0 ss:$0x1] =	vst.idx.msk $0xffff, v2;
	s20 =	sshra.s32 s22, $0x2;
	s22 =	smov.u32 s23;
	(pc) =	sbr.rel @p0 .LBB1_5-.Ltmp3, $4  }
0x2e: {  	v3 =	vld [tilespmem:s21+$0x10];
	[tilespmem:v0+s20+$0x30 ss:$0x1] =	vst.idx.msk $0xffff, v4  }
0x2f: {  	[tilespmem:v0+s20+$0xFFFFFFD0 ss:$0x1] =	vst.idx.msk $0xffff, v6;
	v5 =	vld [tilespmem:s21+$0x20]  }
0x30: {  	v2 =	vld [tilespmem:s21+$0xFFFFFFC0];
	[tilespmem:v0+s20+$0xFFFFFFE0 ss:$0x1] =	vst.idx.msk $0xffff, v7;
	s21 =	sadd.s32 $0x80, s21  }
0x31: {  	s23 =	sadd.s32 $0x800, s23;
	v4 =	vld [tilespmem:s21+$0x30];
	[tilespmem:v0+s20+$0xFFFFFFF0 ss:$0x1] =	vst.idx.msk $0xffff, v8  }
0x32: {  	_ =	sdelay $0x3  }
0x33: {  	v6 =	vld [tilespmem:s21+$0xFFFFFFD0];
	[tilespmem:v0+s20+$0x0 ss:$0x1] =	vst.idx.msk $0xffff, v1  }
0x34: {  	v58 =	vld [tilespmem:s21+$0xFFFFFFE0];
	[tilespmem:v0+s20+$0x10 ss:$0x1] =	vst.idx.msk $0xffff, v3  }
0x35: {  	v59 =	vld [tilespmem:s21+$0xFFFFFFF0];
	[tilespmem:v0+s20+$0x20 ss:$0x1] =	vst.idx.msk $0xffff, v5  }
0x36: {  	s22 =	sshra.s32 s22, $0x2;
	v60 =	vld [tilespmem:s21+$0x0];
	[tilespmem:v0+s20+$0xFFFFFFC0 ss:$0x1] =	vst.idx.msk $0xffff, v2  }
0x37: {  	v61 =	vld [tilespmem:s21+$0x10];
	[tilespmem:v0+s22+$0x30 ss:$0x1] =	vst.idx.msk $0xffff, v4  }
0x38: {  	v62 =	vld [tilespmem:s21+$0x20];
	s19 =	sadd.s32 $0x1, s19;
	[tilespmem:v0+s22+$0xFFFFFFD0 ss:$0x1] =	vst.idx.msk $0xffff, v6  }
0x39: {  	v63 =	vld [tilespmem:s21+$0xFFFFFFC0];
	p0 =	sne.s32 s19, $0x4;
	[tilespmem:v0+s22+$0xFFFFFFE0 ss:$0x1] =	vst.idx.msk $0xffff, v58  }
.Ltmp4:
0x3a: {  	[tilespmem:v0+s22+$0xFFFFFFF0 ss:$0x1] =	vst.idx.msk $0xffff, v59;
	(pc) =	sbr.rel @p0 .LBB1_4-.Ltmp4, $4  }
0x3b: {  	[tilespmem:v0+s22+$0x0 ss:$0x1] =	vst.idx.msk $0xffff, v60  }
0x3c: {  	[tilespmem:v0+s22+$0x10 ss:$0x1] =	vst.idx.msk $0xffff, v61  }
0x3d: {  	[tilespmem:v0+s22+$0x20 ss:$0x1] =	vst.idx.msk $0xffff, v62  }
0x3e: {  	s18 =	sadd.s32 $0x400, s18;
	s17 =	sadd.s32 $0x80, s17;
	[tilespmem:v0+s22+$0xFFFFFFC0 ss:$0x1] =	vst.idx.msk $0xffff, v63  }
0x3f: {  	s16 =	sadd.s32 $0x1, s16  }
0x40: {  	p0 =	sne.s32 s16, $0x4  }
.Ltmp5:
0x41: {  	_ = 	snop;
	(pc) =	sbr.rel @p0 .LBB1_3-.Ltmp5, $2  }
0x42: {  	_ =	sdelay $0x2  }
0x43: {  	s13 =	sadd.s32 $0x1000, s13;
	s14 =	sadd.s32 $0x1000, s14  }
.Ltmp6:
0x44: {  	(pc) =	sbr.rel .LBB1_9-.Ltmp6, $4  }
0x45: {  	_ = 	snop  }
0x46: {  	s12 =	sshll.u32 s12, $0x9  }
0x47: {  	s12 =	sadd.s32 s4, s12  }
0x48: {  	[hbm4b:s12+s8] =	stream.linear.scatter [tilespmem:s15], [sflag:$0x2], $0x4000, $0x38;
	[tilespmem:$0x10000] =	vst v63  }
.LBB1_10:
0x49: {  	_ =	sfence.sel $0x180000  }
0x4a: {  	s2 =	simm.s32 $0x1;
	[bflag:$0x0] =	sbarrier.arrive $0xFFFF  }
0x4b: {  	s31 =	simm.s32 $0x2;
	[sflag:s2] =	ssyncpa.u1 $0x1  }
0x4c: {  	[sflag:s31] =	ssyncpa.u1 $0x1  }
0x4d: {  	p0 =	sne.s32 s0, $0x0;
	_ =	strace $0x9000004A  }
0x4e: {  	s0 =	sadd.s32 @!p0 $0x100000, s1;
	[bflag:$0x2] =	sbarrier.arrive $0xFFFF  }
0x4f: {  	[sflag:s0] =	ssyncadd.tile.s32 @!p0 $0x1;
	_ =	shalt  }
.Lfunc_end1:
_tile_overlayer_lowered:
.L_overlay_start_2:
0x50: {  	(tag) =	ssettag $0x2  }
0x51: {  	s0 =	rddreg [dreg:$0x0];
	s2 =	stileid.u32  }
0x52: {  	s1 =	rddreg [dreg:$0x1];
	p0 =	sne.s32 s2, $0x0  }
0x53: {  	s3 =	rddreg [dreg:$0x2];
	[bflag:$0x3] =	sbarrier.arrive $0xFFFF;
	s2 =	simm.s32 @!p0 $0x1C01  }
0x54: {  	[timem:s3], [sflag:s2] =	dma.local @!p0 [hbm:s0], s1  }
0x55: {  	s0 =	simm.s32 @!p0 $0x1  }
0x56: {  	_ =	swait.ge @!p0 [sflag:s0], s1  }
0x57: {  	s1 =	ssub.s32 @!p0 $0x0, s1;
	[sflag:s0] =	ssyncset.done @!p0 $0x0  }
0x58: {  	[sflag:s0] =	ssyncadd.s32 @!p0 s1  }
0x59: {  	[bflag:$0x3] =	sbarrier.arrive $0xFFFF  }
0x5a: {  	_ =	shalt  }

</sc_bundles>
